<compile_context>
chip_gen: v7x
topology: tpu7x:2x2x1
jax: 0.10.2.dev20260603
libtpu: 0.0.44.dev20260713+nightly
codegen_flags: <defaults>
</compile_context>

<pallas_src>
import functools

import jax
import jax.numpy as jnp
from jax import lax
from jax.experimental import pallas as pl
from jax.experimental.pallas import tpu as pltpu
from jax.experimental.pallas import tpu_sc as plsc

_N = 10000
_E = 160000
_D_IN = 256
_D_OUT = 512

_H = 128
_CW = 8
_NSUB = 16
_NCORE = 2
_EDGES_PER_SUB = _E // _NSUB
_CHUNK = 80
_NCHUNK = _EDGES_PER_SUB // _CHUNK
_NPAD = 10240
_ROWS_PER_SUB = _NPAD // _NSUB


def _sc_aggregate(x2, edge3, zrows, zcnt, ones_rows):
    mesh = plsc.VectorSubcoreMesh(core_axis_name="c", subcore_axis_name="s")

    @functools.partial(
        pl.kernel,
        mesh=mesh,
        compiler_params=pltpu.CompilerParams(use_tc_tiling_on_sc=False),
        out_type=(
            jax.ShapeDtypeStruct((_NCORE, _NPAD, _H), jnp.float32),
            jax.ShapeDtypeStruct((_NPAD, _CW), jnp.float32),
        ),
        scratch_types=[
            pltpu.VMEM((_NCHUNK, _CHUNK), jnp.int32),
            pltpu.VMEM((_NCHUNK, _CHUNK), jnp.int32),
            pltpu.VMEM((_CHUNK, _H), jnp.float32),
            pltpu.VMEM((_CHUNK, _H), jnp.float32),
            pltpu.VMEM((_CHUNK, _CW), jnp.float32),
            pltpu.VMEM_SHARED((_NPAD, _H), jnp.float32),
            pltpu.VMEM_SHARED((_NPAD, _CW), jnp.float32),
            pltpu.SemaphoreType.DMA,
            pltpu.SemaphoreType.DMA,
            pltpu.SemaphoreType.DMA,
            pltpu.SemaphoreType.DMA,
            pltpu.SemaphoreType.DMA,
            pltpu.SemaphoreType.DMA,
        ],
    )
    def k(x2_hbm, edge_hbm, z_hbm, zc_hbm, ones_hbm,
          feat_out, cnt_out,
          src_v, dst_v, rows0_v, rows1_v, ones_v, accf, accc,
          rsem0, rsem1, csem0, csem1, ssem0, ssem1):
        c = lax.axis_index("c")
        s = lax.axis_index("s")
        row0 = s * _ROWS_PER_SUB

        rows = (rows0_v, rows1_v)
        rsem = (rsem0, rsem1)
        csem = (csem0, csem1)
        ssem = (ssem0, ssem1)

        pltpu.sync_copy(z_hbm, accf.at[pl.ds(row0, _ROWS_PER_SUB)])
        pltpu.sync_copy(zc_hbm, accc.at[pl.ds(row0, _ROWS_PER_SUB)])
        pltpu.sync_copy(edge_hbm.at[0, s], src_v)
        pltpu.sync_copy(edge_hbm.at[1, s], dst_v)
        pltpu.sync_copy(ones_hbm, ones_v)

        def xform(j, carry):
            for t in range(_CHUNK // 16):
                v = src_v[j, pl.ds(t * 16, 16)]
                src_v[j, pl.ds(t * 16, 16)] = v + v + c
            return carry

        lax.fori_loop(0, _NCHUNK, xform, 0)
        plsc.subcore_barrier()

        def gather(j, p):
            pltpu.async_copy(x2_hbm.at[src_v.at[j]], rows[p], rsem[p])

        def wait_rows(p):
            pltpu.make_async_copy(x2_hbm.at[pl.ds(0, _CHUNK)], rows[p],
                                  rsem[p]).wait()

        def wait_scat(p):
            pltpu.make_async_copy(x2_hbm.at[pl.ds(0, _CHUNK)], rows[p],
                                  ssem[p]).wait()

        def wait_cnt(p):
            pltpu.make_async_copy(ones_hbm, ones_v, csem[p]).wait()

        gather(0, 0)

        def step(j, p):
            @pl.when(j + 1 < _NCHUNK)
            def _():
                @pl.when(j >= 1)
                def _():
                    wait_scat(1 - p)

                gather(j + 1, 1 - p)

            @pl.when(j >= 2)
            def _():
                wait_cnt(p)

            pltpu.async_copy(ones_v, accc.at[dst_v.at[j]], csem[p], add=True)

            wait_rows(p)
            pltpu.async_copy(rows[p], accf.at[dst_v.at[j]], ssem[p], add=True)

        def body(j, carry):
            @pl.when(j % 2 == 0)
            def _():
                step(j, 0)

            @pl.when(j % 2 == 1)
            def _():
                step(j, 1)

            return carry

        lax.fori_loop(0, _NCHUNK, body, 0)
        wait_scat(0)
        wait_scat(1)
        wait_cnt(0)
        wait_cnt(1)
        plsc.subcore_barrier()

        pltpu.sync_copy(accf.at[pl.ds(row0, _ROWS_PER_SUB)],
                        feat_out.at[c, pl.ds(row0, _ROWS_PER_SUB)])

        @pl.when(c == 0)
        def _():
            pltpu.sync_copy(accc.at[pl.ds(row0, _ROWS_PER_SUB)],
                            cnt_out.at[pl.ds(row0, _ROWS_PER_SUB)])

    return k(x2, edge3, zrows, zcnt, ones_rows)


_TC_ROWS = 1000


def _tc_linear(feats, cnt, x, wl0, wl1, wr, b):

    def body(a0_ref, a1_ref, c_ref, x_ref, wl0_ref, wl1_ref, wr_ref, b_ref,
             o_ref):
        denom = jnp.maximum(c_ref[:, 0:1], 1.0)
        n0 = a0_ref[0] / denom
        n1 = a1_ref[0] / denom
        dims = (((1,), (1,)), ((), ()))
        out = (lax.dot_general(n0, wl0_ref[...], dims,
                               preferred_element_type=jnp.float32)
               + lax.dot_general(n1, wl1_ref[...], dims,
                                 preferred_element_type=jnp.float32)
               + lax.dot_general(x_ref[...], wr_ref[...], dims,
                                 preferred_element_type=jnp.float32)
               + b_ref[...])
        o_ref[...] = jnp.maximum(out, 0.0)

    return pl.pallas_call(
        body,
        grid=(_N // _TC_ROWS,),
        in_specs=[
            pl.BlockSpec((1, _TC_ROWS, _H), lambda i: (0, i, 0)),
            pl.BlockSpec((1, _TC_ROWS, _H), lambda i: (1, i, 0)),
            pl.BlockSpec((_TC_ROWS, _CW), lambda i: (i, 0)),
            pl.BlockSpec((_TC_ROWS, _D_IN), lambda i: (i, 0)),
            pl.BlockSpec((_D_OUT, _H), lambda i: (0, 0)),
            pl.BlockSpec((_D_OUT, _H), lambda i: (0, 0)),
            pl.BlockSpec((_D_OUT, _D_IN), lambda i: (0, 0)),
            pl.BlockSpec((1, _D_OUT), lambda i: (0, 0)),
        ],
        out_specs=pl.BlockSpec((_TC_ROWS, _D_OUT), lambda i: (i, 0)),
        out_shape=jax.ShapeDtypeStruct((_N, _D_OUT), jnp.float32),
    )(feats, feats, cnt, x, wl0, wl1, wr, b)


def kernel(x, edge_index, W_l, b_l, W_r):
    x2 = x.reshape(_NCORE * _N, _H)
    edge3 = edge_index.reshape(2, _NSUB, _NCHUNK, _CHUNK)
    zrows = jnp.zeros((_ROWS_PER_SUB, _H), jnp.float32)
    zcnt = jnp.zeros((_ROWS_PER_SUB, _CW), jnp.float32)
    ones_rows = jnp.concatenate(
        [jnp.ones((_CHUNK, 1), jnp.float32),
         jnp.zeros((_CHUNK, _CW - 1), jnp.float32)], axis=1)

    feats, cnt = _sc_aggregate(x2, edge3, zrows, zcnt, ones_rows)

    return _tc_linear(feats, cnt, x, W_l[:, :_H], W_l[:, _H:], W_r,
                      b_l.reshape(1, _D_OUT))

# --- scband reference (transcript-rebuilt; emitter-appended) ---
"""Pipeline reference for scband-sageconv-module-1769526526161 (READ-ONLY COPY).

The authoritative reference and input builder live on the scoring server;
editing this copy changes nothing except your own understanding.
"""

import jax, jax.numpy as jnp
import numpy as np

N = 10000
E = 160000
D_IN = 256
D_OUT = 512


def setup_inputs(seed: int = 0) -> dict:
    key = jax.random.key(seed)
    k1, k2, k3, k4 = jax.random.split(key, 4)
    x = jax.random.normal(k1, (N, D_IN), dtype=jnp.float32)
    edge_index = jax.random.randint(k2, (2, E), 0, N, dtype=jnp.int32)
    # PyG SAGEConv params: lin_l (applied to mean-aggregated neighbors, with bias),
    # lin_r (applied to root/self features, no bias)
    W_l = jax.random.normal(k3, (D_OUT, D_IN), dtype=jnp.float32) * (1.0 / np.sqrt(D_IN))
    b_l = jnp.zeros((D_OUT,), dtype=jnp.float32)
    W_r = jax.random.normal(k4, (D_OUT, D_IN), dtype=jnp.float32) * (1.0 / np.sqrt(D_IN))
    return {"x": x, "edge_index": edge_index, "W_l": W_l, "b_l": b_l, "W_r": W_r}


def reference(x, edge_index, W_l, b_l, W_r):
    # SAGEConv with mean aggregation (PyG default):
    # out = lin_l(mean_{j in N(i)} x_j) + lin_r(x_i), then ReLU (activation='relu')
    src = edge_index[0]
    dst = edge_index[1]
    msgs = jnp.take(x, src, axis=0)                      # gather source features [E, D_IN]
    summed = jax.ops.segment_sum(msgs, dst, num_segments=N)
    cnt = jax.ops.segment_sum(jnp.ones((E,), dtype=x.dtype), dst, num_segments=N)
    agg = summed / jnp.clip(cnt, 1.0)[:, None]           # mean aggregation
    out = agg @ W_l.T + b_l + x @ W_r.T
    return jax.nn.relu(out)

if __name__ == "__main__":
    import jax
    _d = setup_inputs()
    print(jax.jit(kernel)(*tuple(_d.values())))

</pallas_src>

<mosaic_0001>
#map = affine_map<(d0, d1) -> (0, 0)>
#map1 = affine_map<(d0, d1) -> (0, 0, 0, 0)>
#map2 = affine_map<(d0, d1) -> (0, 0, 0)>
module attributes {stable_mosaic.version = 14 : i64} {
  func.func @k(%arg0: i32, %arg1: i32, %arg2: memref<20000x128xf32, #tpu.memory_space<hbm>>, %arg3: memref<2x16x125x80xi32, #tpu.memory_space<hbm>>, %arg4: memref<640x128xf32, #tpu.memory_space<hbm>>, %arg5: memref<640x8xf32, #tpu.memory_space<hbm>>, %arg6: memref<80x8xf32, #tpu.memory_space<hbm>>, %arg7: memref<2x10240x128xf32, #tpu.memory_space<hbm>>, %arg8: memref<10240x8xf32, #tpu.memory_space<hbm>>, %arg9: memref<125x80xi32, #tpu.memory_space<vmem>>, %arg10: memref<125x80xi32, #tpu.memory_space<vmem>>, %arg11: memref<80x128xf32, #tpu.memory_space<vmem>>, %arg12: memref<80x128xf32, #tpu.memory_space<vmem>>, %arg13: memref<80x8xf32, #tpu.memory_space<vmem>>, %arg14: memref<10240x128xf32, #tpu.memory_space<vmem_shared>>, %arg15: memref<10240x8xf32, #tpu.memory_space<vmem_shared>>, %arg16: memref<!tpu.dma_semaphore, #tpu.memory_space<semaphore_mem>>, %arg17: memref<!tpu.dma_semaphore, #tpu.memory_space<semaphore_mem>>, %arg18: memref<!tpu.dma_semaphore, #tpu.memory_space<semaphore_mem>>, %arg19: memref<!tpu.dma_semaphore, #tpu.memory_space<semaphore_mem>>, %arg20: memref<!tpu.dma_semaphore, #tpu.memory_space<semaphore_mem>>, %arg21: memref<!tpu.dma_semaphore, #tpu.memory_space<semaphore_mem>>) attributes {dimension_semantics = [#tpu.dimension_semantics<core_parallel>, #tpu.dimension_semantics<subcore_parallel>], iteration_bounds = array<i64: 2, 16>, scalar_prefetch = 0 : i64, scratch_operands = 13 : i64, tpu.core_type = #tpu.core_type<sc_vector_subcore>, window_params = [{transform_indices = #map}, {transform_indices = #map1}, {transform_indices = #map}, {transform_indices = #map}, {transform_indices = #map}, {transform_indices = #map2}, {transform_indices = #map}]} {
    %mul3A = arith.constant 640 : i32
    %mul3A_0 = arith.muli %arg1, %mul3A : i32
    "tpu.region"() ({
      %run_scoped3A_33 = tpu.sem_alloc : memref<!tpu.dma_semaphore, #tpu.memory_space<semaphore_mem>>
      %dma_start3A_34 = arith.constant 0 : i32
      %dma_start3A_35 = tpu.memref_slice %arg14[%mul3A_0, %dma_start3A_34] : memref<10240x128xf32, #tpu.memory_space<vmem_shared>> -> memref<640x128xf32, #tpu.memory_space<vmem_shared>>
      tpu.enqueue_dma source(%arg4 : memref<640x128xf32, #tpu.memory_space<hbm>>) target(%dma_start3A_35 : memref<640x128xf32, #tpu.memory_space<vmem_shared>>) target_semaphore(%run_scoped3A_33 : memref<!tpu.dma_semaphore, #tpu.memory_space<semaphore_mem>>)
      %dma_wait3A_36 = arith.constant 0 : i32
      %dma_wait3A_37 = tpu.memref_slice %arg14[%mul3A_0, %dma_wait3A_36] : memref<10240x128xf32, #tpu.memory_space<vmem_shared>> -> memref<640x128xf32, #tpu.memory_space<vmem_shared>>
      tpu.wait_dma2 semaphore(%run_scoped3A_33 : memref<!tpu.dma_semaphore, #tpu.memory_space<semaphore_mem>>) src(%arg4 : memref<640x128xf32, #tpu.memory_space<hbm>>) dst(%dma_wait3A_37 : memref<640x128xf32, #tpu.memory_space<vmem_shared>>)
      tpu.yield
    }) : () -> ()
    "tpu.region"() ({
      %run_scoped3A_33 = tpu.sem_alloc : memref<!tpu.dma_semaphore, #tpu.memory_space<semaphore_mem>>
      %dma_start3A_34 = arith.constant 0 : i32
      %dma_start3A_35 = tpu.memref_slice %arg15[%mul3A_0, %dma_start3A_34] : memref<10240x8xf32, #tpu.memory_space<vmem_shared>> -> memref<640x8xf32, #tpu.memory_space<vmem_shared>>
      tpu.enqueue_dma source(%arg5 : memref<640x8xf32, #tpu.memory_space<hbm>>) target(%dma_start3A_35 : memref<640x8xf32, #tpu.memory_space<vmem_shared>>) target_semaphore(%run_scoped3A_33 : memref<!tpu.dma_semaphore, #tpu.memory_space<semaphore_mem>>)
      %dma_wait3A_36 = arith.constant 0 : i32
      %dma_wait3A_37 = tpu.memref_slice %arg15[%mul3A_0, %dma_wait3A_36] : memref<10240x8xf32, #tpu.memory_space<vmem_shared>> -> memref<640x8xf32, #tpu.memory_space<vmem_shared>>
      tpu.wait_dma2 semaphore(%run_scoped3A_33 : memref<!tpu.dma_semaphore, #tpu.memory_space<semaphore_mem>>) src(%arg5 : memref<640x8xf32, #tpu.memory_space<hbm>>) dst(%dma_wait3A_37 : memref<640x8xf32, #tpu.memory_space<vmem_shared>>)
      tpu.yield
    }) : () -> ()
    %run_scoped3A = arith.constant 0 : i32
    "tpu.region"() ({
      %run_scoped3A_33 = tpu.sem_alloc : memref<!tpu.dma_semaphore, #tpu.memory_space<semaphore_mem>>
      %dma_start3A_34 = arith.constant 0 : i32
      %dma_start3A_35 = arith.constant 0 : i32
      %dma_start3A_36 = tpu.memref_slice %arg3[%run_scoped3A, %arg1, %dma_start3A_34, %dma_start3A_35] : memref<2x16x125x80xi32, #tpu.memory_space<hbm>> -> memref<1x1x125x80xi32, #tpu.memory_space<hbm>>
      %dma_start3A_37 = tpu.memref_squeeze %dma_start3A_36 : memref<1x1x125x80xi32, #tpu.memory_space<hbm>> -> memref<125x80xi32, #tpu.memory_space<hbm>>
      %dma_start3A_38 = arith.constant 0 : i32
      %dma_start3A_39 = arith.constant 0 : i32
      %dma_start3A_40 = tpu.memref_slice %arg3[%run_scoped3A, %arg1, %dma_start3A_38, %dma_start3A_39] : memref<2x16x125x80xi32, #tpu.memory_space<hbm>> -> memref<1x1x125x80xi32, #tpu.memory_space<hbm>>
      %dma_start3A_41 = tpu.memref_squeeze %dma_start3A_40 : memref<1x1x125x80xi32, #tpu.memory_space<hbm>> -> memref<125x80xi32, #tpu.memory_space<hbm>>
      tpu.enqueue_dma source(%dma_start3A_41 : memref<125x80xi32, #tpu.memory_space<hbm>>) target(%arg9 : memref<125x80xi32, #tpu.memory_space<vmem>>) target_semaphore(%run_scoped3A_33 : memref<!tpu.dma_semaphore, #tpu.memory_space<semaphore_mem>>)
      %dma_wait3A_42 = arith.constant 0 : i32
      %dma_wait3A_43 = arith.constant 0 : i32
      %dma_wait3A_44 = tpu.memref_slice %arg3[%run_scoped3A, %arg1, %dma_wait3A_42, %dma_wait3A_43] : memref<2x16x125x80xi32, #tpu.memory_space<hbm>> -> memref<1x1x125x80xi32, #tpu.memory_space<hbm>>
      %dma_wait3A_45 = tpu.memref_squeeze %dma_wait3A_44 : memref<1x1x125x80xi32, #tpu.memory_space<hbm>> -> memref<125x80xi32, #tpu.memory_space<hbm>>
      %dma_wait3A_46 = arith.constant 0 : i32
      %dma_wait3A_47 = arith.constant 0 : i32
      %dma_wait3A_48 = tpu.memref_slice %arg3[%run_scoped3A, %arg1, %dma_wait3A_46, %dma_wait3A_47] : memref<2x16x125x80xi32, #tpu.memory_space<hbm>> -> memref<1x1x125x80xi32, #tpu.memory_space<hbm>>
      %dma_wait3A_49 = tpu.memref_squeeze %dma_wait3A_48 : memref<1x1x125x80xi32, #tpu.memory_space<hbm>> -> memref<125x80xi32, #tpu.memory_space<hbm>>
      tpu.wait_dma2 semaphore(%run_scoped3A_33 : memref<!tpu.dma_semaphore, #tpu.memory_space<semaphore_mem>>) src(%dma_wait3A_49 : memref<125x80xi32, #tpu.memory_space<hbm>>) dst(%arg9 : memref<125x80xi32, #tpu.memory_space<vmem>>)
      tpu.yield
    }) : () -> ()
    %run_scoped3A_1 = arith.constant 1 : i32
    "tpu.region"() ({
      %run_scoped3A_33 = tpu.sem_alloc : memref<!tpu.dma_semaphore, #tpu.memory_space<semaphore_mem>>
      %dma_start3A_34 = arith.constant 0 : i32
      %dma_start3A_35 = arith.constant 0 : i32
      %dma_start3A_36 = tpu.memref_slice %arg3[%run_scoped3A_1, %arg1, %dma_start3A_34, %dma_start3A_35] : memref<2x16x125x80xi32, #tpu.memory_space<hbm>> -> memref<1x1x125x80xi32, #tpu.memory_space<hbm>>
      %dma_start3A_37 = tpu.memref_squeeze %dma_start3A_36 : memref<1x1x125x80xi32, #tpu.memory_space<hbm>> -> memref<125x80xi32, #tpu.memory_space<hbm>>
      %dma_start3A_38 = arith.constant 0 : i32
      %dma_start3A_39 = arith.constant 0 : i32
      %dma_start3A_40 = tpu.memref_slice %arg3[%run_scoped3A_1, %arg1, %dma_start3A_38, %dma_start3A_39] : memref<2x16x125x80xi32, #tpu.memory_space<hbm>> -> memref<1x1x125x80xi32, #tpu.memory_space<hbm>>
      %dma_start3A_41 = tpu.memref_squeeze %dma_start3A_40 : memref<1x1x125x80xi32, #tpu.memory_space<hbm>> -> memref<125x80xi32, #tpu.memory_space<hbm>>
      tpu.enqueue_dma source(%dma_start3A_41 : memref<125x80xi32, #tpu.memory_space<hbm>>) target(%arg10 : memref<125x80xi32, #tpu.memory_space<vmem>>) target_semaphore(%run_scoped3A_33 : memref<!tpu.dma_semaphore, #tpu.memory_space<semaphore_mem>>)
      %dma_wait3A_42 = arith.constant 0 : i32
      %dma_wait3A_43 = arith.constant 0 : i32
      %dma_wait3A_44 = tpu.memref_slice %arg3[%run_scoped3A_1, %arg1, %dma_wait3A_42, %dma_wait3A_43] : memref<2x16x125x80xi32, #tpu.memory_space<hbm>> -> memref<1x1x125x80xi32, #tpu.memory_space<hbm>>
      %dma_wait3A_45 = tpu.memref_squeeze %dma_wait3A_44 : memref<1x1x125x80xi32, #tpu.memory_space<hbm>> -> memref<125x80xi32, #tpu.memory_space<hbm>>
      %dma_wait3A_46 = arith.constant 0 : i32
      %dma_wait3A_47 = arith.constant 0 : i32
      %dma_wait3A_48 = tpu.memref_slice %arg3[%run_scoped3A_1, %arg1, %dma_wait3A_46, %dma_wait3A_47] : memref<2x16x125x80xi32, #tpu.memory_space<hbm>> -> memref<1x1x125x80xi32, #tpu.memory_space<hbm>>
      %dma_wait3A_49 = tpu.memref_squeeze %dma_wait3A_48 : memref<1x1x125x80xi32, #tpu.memory_space<hbm>> -> memref<125x80xi32, #tpu.memory_space<hbm>>
      tpu.wait_dma2 semaphore(%run_scoped3A_33 : memref<!tpu.dma_semaphore, #tpu.memory_space<semaphore_mem>>) src(%dma_wait3A_49 : memref<125x80xi32, #tpu.memory_space<hbm>>) dst(%arg10 : memref<125x80xi32, #tpu.memory_space<vmem>>)
      tpu.yield
    }) : () -> ()
    "tpu.region"() ({
      %run_scoped3A_33 = tpu.sem_alloc : memref<!tpu.dma_semaphore, #tpu.memory_space<semaphore_mem>>
      tpu.enqueue_dma source(%arg6 : memref<80x8xf32, #tpu.memory_space<hbm>>) target(%arg13 : memref<80x8xf32, #tpu.memory_space<vmem>>) target_semaphore(%run_scoped3A_33 : memref<!tpu.dma_semaphore, #tpu.memory_space<semaphore_mem>>)
      tpu.wait_dma2 semaphore(%run_scoped3A_33 : memref<!tpu.dma_semaphore, #tpu.memory_space<semaphore_mem>>) src(%arg6 : memref<80x8xf32, #tpu.memory_space<hbm>>) dst(%arg13 : memref<80x8xf32, #tpu.memory_space<vmem>>)
      tpu.yield
    }) : () -> ()
    %scan3A = arith.constant 0 : i32
    %scan3A_2 = arith.constant 0 : i32
    %scan3A_3 = arith.constant 125 : i32
    %scan3A_4 = arith.addi %scan3A_2, %scan3A_3 : i32
    %scan3A_5 = arith.constant 1 : i32
    scf.for %scan3A_33 = %scan3A_2 to %scan3A_4 step %scan3A_5  : i32 {
      %get3A = arith.index_cast %scan3A_33 : i32 to index
      %get3A_34 = arith.constant 0 : index
      %get3A_35 = tpu.vector_load %arg9[%get3A, %get3A_34] {strides = array<i32>} : memref<125x80xi32, #tpu.memory_space<vmem>>, vector<1x16xi32>,
      %get3A_36 = vector.shape_cast %get3A_35 : vector<1x16xi32> to vector<16xi32>
      %add3A = arith.addi %get3A_36, %get3A_36 : vector<16xi32>
      %add3A_37 = vector.broadcast %arg0 : i32 to vector<16xi32>
      %add3A_38 = arith.addi %add3A, %add3A_37 : vector<16xi32>
      %swap3A = arith.index_cast %scan3A_33 : i32 to index
      %swap3A_39 = arith.constant 0 : index
      %swap3A_40 = tpu.vector_load %arg9[%swap3A, %swap3A_39] {strides = array<i32>} : memref<125x80xi32, #tpu.memory_space<vmem>>, vector<1x16xi32>,
      %swap3A_41 = vector.shape_cast %swap3A_40 : vector<1x16xi32> to vector<16xi32>
      %swap3A_42 = vector.shape_cast %add3A_38 : vector<16xi32> to vector<1x16xi32>
      tpu.vector_store %arg9[%swap3A, %swap3A_39], %swap3A_42 {strides = array<i32>} : memref<125x80xi32, #tpu.memory_space<vmem>>, vector<1x16xi32>,
      %get3A_43 = arith.index_cast %scan3A_33 : i32 to index
      %get3A_44 = arith.constant 16 : index
      %get3A_45 = tpu.vector_load %arg9[%get3A_43, %get3A_44] {strides = array<i32>} : memref<125x80xi32, #tpu.memory_space<vmem>>, vector<1x16xi32>,
      %get3A_46 = vector.shape_cast %get3A_45 : vector<1x16xi32> to vector<16xi32>
      %add3A_47 = arith.addi %get3A_46, %get3A_46 : vector<16xi32>
      %add3A_48 = vector.broadcast %arg0 : i32 to vector<16xi32>
      %add3A_49 = arith.addi %add3A_47, %add3A_48 : vector<16xi32>
      %swap3A_50 = arith.index_cast %scan3A_33 : i32 to index
      %swap3A_51 = arith.constant 16 : index
      %swap3A_52 = tpu.vector_load %arg9[%swap3A_50, %swap3A_51] {strides = array<i32>} : memref<125x80xi32, #tpu.memory_space<vmem>>, vector<1x16xi32>,
      %swap3A_53 = vector.shape_cast %swap3A_52 : vector<1x16xi32> to vector<16xi32>
      %swap3A_54 = vector.shape_cast %add3A_49 : vector<16xi32> to vector<1x16xi32>
      tpu.vector_store %arg9[%swap3A_50, %swap3A_51], %swap3A_54 {strides = array<i32>} : memref<125x80xi32, #tpu.memory_space<vmem>>, vector<1x16xi32>,
      %get3A_55 = arith.index_cast %scan3A_33 : i32 to index
      %get3A_56 = arith.constant 32 : index
      %get3A_57 = tpu.vector_load %arg9[%get3A_55, %get3A_56] {strides = array<i32>} : memref<125x80xi32, #tpu.memory_space<vmem>>, vector<1x16xi32>,
      %get3A_58 = vector.shape_cast %get3A_57 : vector<1x16xi32> to vector<16xi32>
      %add3A_59 = arith.addi %get3A_58, %get3A_58 : vector<16xi32>
      %add3A_60 = vector.broadcast %arg0 : i32 to vector<16xi32>
      %add3A_61 = arith.addi %add3A_59, %add3A_60 : vector<16xi32>
      %swap3A_62 = arith.index_cast %scan3A_33 : i32 to index
      %swap3A_63 = arith.constant 32 : index
      %swap3A_64 = tpu.vector_load %arg9[%swap3A_62, %swap3A_63] {strides = array<i32>} : memref<125x80xi32, #tpu.memory_space<vmem>>, vector<1x16xi32>,
      %swap3A_65 = vector.shape_cast %swap3A_64 : vector<1x16xi32> to vector<16xi32>
      %swap3A_66 = vector.shape_cast %add3A_61 : vector<16xi32> to vector<1x16xi32>
      tpu.vector_store %arg9[%swap3A_62, %swap3A_63], %swap3A_66 {strides = array<i32>} : memref<125x80xi32, #tpu.memory_space<vmem>>, vector<1x16xi32>,
      %get3A_67 = arith.index_cast %scan3A_33 : i32 to index
      %get3A_68 = arith.constant 48 : index
      %get3A_69 = tpu.vector_load %arg9[%get3A_67, %get3A_68] {strides = array<i32>} : memref<125x80xi32, #tpu.memory_space<vmem>>, vector<1x16xi32>,
      %get3A_70 = vector.shape_cast %get3A_69 : vector<1x16xi32> to vector<16xi32>
      %add3A_71 = arith.addi %get3A_70, %get3A_70 : vector<16xi32>
      %add3A_72 = vector.broadcast %arg0 : i32 to vector<16xi32>
      %add3A_73 = arith.addi %add3A_71, %add3A_72 : vector<16xi32>
      %swap3A_74 = arith.index_cast %scan3A_33 : i32 to index
      %swap3A_75 = arith.constant 48 : index
      %swap3A_76 = tpu.vector_load %arg9[%swap3A_74, %swap3A_75] {strides = array<i32>} : memref<125x80xi32, #tpu.memory_space<vmem>>, vector<1x16xi32>,
      %swap3A_77 = vector.shape_cast %swap3A_76 : vector<1x16xi32> to vector<16xi32>
      %swap3A_78 = vector.shape_cast %add3A_73 : vector<16xi32> to vector<1x16xi32>
      tpu.vector_store %arg9[%swap3A_74, %swap3A_75], %swap3A_78 {strides = array<i32>} : memref<125x80xi32, #tpu.memory_space<vmem>>, vector<1x16xi32>,
      %get3A_79 = arith.index_cast %scan3A_33 : i32 to index
      %get3A_80 = arith.constant 64 : index
      %get3A_81 = tpu.vector_load %arg9[%get3A_79, %get3A_80] {strides = array<i32>} : memref<125x80xi32, #tpu.memory_space<vmem>>, vector<1x16xi32>,
      %get3A_82 = vector.shape_cast %get3A_81 : vector<1x16xi32> to vector<16xi32>
      %add3A_83 = arith.addi %get3A_82, %get3A_82 : vector<16xi32>
      %add3A_84 = vector.broadcast %arg0 : i32 to vector<16xi32>
      %add3A_85 = arith.addi %add3A_83, %add3A_84 : vector<16xi32>
      %swap3A_86 = arith.index_cast %scan3A_33 : i32 to index
      %swap3A_87 = arith.constant 64 : index
      %swap3A_88 = tpu.vector_load %arg9[%swap3A_86, %swap3A_87] {strides = array<i32>} : memref<125x80xi32, #tpu.memory_space<vmem>>, vector<1x16xi32>,
      %swap3A_89 = vector.shape_cast %swap3A_88 : vector<1x16xi32> to vector<16xi32>
      %swap3A_90 = vector.shape_cast %add3A_85 : vector<16xi32> to vector<1x16xi32>
      tpu.vector_store %arg9[%swap3A_86, %swap3A_87], %swap3A_90 {strides = array<i32>} : memref<125x80xi32, #tpu.memory_space<vmem>>, vector<1x16xi32>,
    }
    %scan3A_6 = arith.constant 125 : i32
    %barrier3A = arith.constant 0 : index
    tpu.barrier barrier_id(%barrier3A)
    %dma_start3A = arith.constant 0 : i32
    %dma_start3A_7 = arith.constant 0 : i32
    %dma_start3A_8 = tpu.memref_slice %arg9[%dma_start3A, %dma_start3A_7] : memref<125x80xi32, #tpu.memory_space<vmem>> -> memref<1x80xi32, #tpu.memory_space<vmem>>
    %dma_start3A_9 = tpu.memref_squeeze %dma_start3A_8 : memref<1x80xi32, #tpu.memory_space<vmem>> -> memref<80xi32, #tpu.memory_space<vmem>>
    %dma_start3A_10 = arith.constant 0 : i32
    %dma_start3A_11 = arith.constant 0 : i32
    %dma_start3A_12 = tpu.memref_slice %arg2[%dma_start3A_10, %dma_start3A_11] : memref<20000x128xf32, #tpu.memory_space<hbm>> -> memref<20000x128xf32, #tpu.memory_space<hbm>>
    tpu.enqueue_indirect_dma source(%dma_start3A_12 : memref<20000x128xf32, #tpu.memory_space<hbm>>) target(%arg11 : memref<80x128xf32, #tpu.memory_space<vmem>>) offsets(%dma_start3A_9 : memref<80xi32, #tpu.memory_space<vmem>>) semaphore(%arg16 : memref<!tpu.dma_semaphore, #tpu.memory_space<semaphore_mem>>)
    %scan3A_13 = arith.constant 0 : i32
    %scan3A_14 = arith.constant 0 : i32
    %scan3A_15 = arith.constant 125 : i32
    %scan3A_16 = arith.addi %scan3A_14, %scan3A_15 : i32
    %scan3A_17 = arith.constant 1 : i32
    scf.for %scan3A_33 = %scan3A_14 to %scan3A_16 step %scan3A_17  : i32 {
      %jit3A = arith.constant 2 : i32
      %eq3A_34 = arith.constant 0 : i32
      %eq3A_35 = arith.cmpi eq, %jit3A, %eq3A_34 : i32
      %jit3A_36 = arith.constant 1 : i32
      %select_n3A = arith.select %eq3A_35, %jit3A_36, %jit3A : i32
      %rem3A = arith.remsi %scan3A_33, %select_n3A : i32
      %ne3A = arith.constant 0 : i32
      %ne3A_37 = arith.cmpi ne, %rem3A, %ne3A : i32
      %lt3A = arith.constant 0 : i32
      %lt3A_38 = arith.cmpi slt, %rem3A, %lt3A : i32
      %lt3A_39 = arith.constant 0 : i32
      %lt3A_40 = arith.cmpi slt, %select_n3A, %lt3A_39 : i32
      %ne3A_41 = arith.xori %lt3A_38, %lt3A_40 : i1
      %and3A = arith.andi %ne3A_41, %ne3A_37 : i1
      %add3A = arith.addi %rem3A, %select_n3A : i32
      %select_n3A_42 = arith.select %and3A, %add3A, %rem3A : i32
      %eq3A_43 = arith.constant 0 : i32
      %eq3A_44 = arith.cmpi eq, %select_n3A_42, %eq3A_43 : i32
      %convert_element_type3A_45 = arith.extui %eq3A_44 : i1 to i32
      %cond3A_46 = arith.constant 0 : i32
      %cond3A_47 = arith.cmpi ne, %convert_element_type3A_45, %cond3A_46 : i32
      scf.if %cond3A_47 {
        %add3A_69 = arith.constant 1 : i32
        %add3A_70 = arith.addi %scan3A_33, %add3A_69 : i32
        %lt3A_71 = arith.constant 125 : i32
        %lt3A_72 = arith.cmpi slt, %add3A_70, %lt3A_71 : i32
        %convert_element_type3A_73 = arith.extui %lt3A_72 : i1 to i32
        %cond3A_74 = arith.constant 0 : i32
        %cond3A_75 = arith.cmpi ne, %convert_element_type3A_73, %cond3A_74 : i32
        scf.if %cond3A_75 {
          %ge3A_98 = arith.constant 1 : i32
          %ge3A_99 = arith.cmpi sge, %scan3A_33, %ge3A_98 : i32
          %convert_element_type3A_100 = arith.extui %ge3A_99 : i1 to i32
          %cond3A_101 = arith.constant 0 : i32
          %cond3A_102 = arith.cmpi ne, %convert_element_type3A_100, %cond3A_101 : i32
          scf.if %cond3A_102 {
            %dma_wait3A_111 = arith.constant 0 : i32
            %dma_wait3A_112 = arith.constant 0 : i32
            %dma_wait3A_113 = tpu.memref_slice %arg2[%dma_wait3A_111, %dma_wait3A_112] : memref<20000x128xf32, #tpu.memory_space<hbm>> -> memref<80x128xf32, #tpu.memory_space<hbm>>
            %dma_wait3A_114 = arith.constant 0 : i32
            %dma_wait3A_115 = arith.constant 0 : i32
            %dma_wait3A_116 = tpu.memref_slice %arg2[%dma_wait3A_114, %dma_wait3A_115] : memref<20000x128xf32, #tpu.memory_space<hbm>> -> memref<80x128xf32, #tpu.memory_space<hbm>>
            tpu.wait_dma2 semaphore(%arg21 : memref<!tpu.dma_semaphore, #tpu.memory_space<semaphore_mem>>) src(%dma_wait3A_116 : memref<80x128xf32, #tpu.memory_space<hbm>>) dst(%arg12 : memref<80x128xf32, #tpu.memory_space<vmem>>)
          } else {
          }
          %add3A_103 = arith.constant 1 : i32
          %add3A_104 = arith.addi %scan3A_33, %add3A_103 : i32
          %dma_start3A_105 = arith.constant 0 : i32
          %dma_start3A_106 = tpu.memref_slice %arg9[%add3A_104, %dma_start3A_105] : memref<125x80xi32, #tpu.memory_space<vmem>> -> memref<1x80xi32, #tpu.memory_space<vmem>>
          %dma_start3A_107 = tpu.memref_squeeze %dma_start3A_106 : memref<1x80xi32, #tpu.memory_space<vmem>> -> memref<80xi32, #tpu.memory_space<vmem>>
          %dma_start3A_108 = arith.constant 0 : i32
          %dma_start3A_109 = arith.constant 0 : i32
          %dma_start3A_110 = tpu.memref_slice %arg2[%dma_start3A_108, %dma_start3A_109] : memref<20000x128xf32, #tpu.memory_space<hbm>> -> memref<20000x128xf32, #tpu.memory_space<hbm>>
          tpu.enqueue_indirect_dma source(%dma_start3A_110 : memref<20000x128xf32, #tpu.memory_space<hbm>>) target(%arg12 : memref<80x128xf32, #tpu.memory_space<vmem>>) offsets(%dma_start3A_107 : memref<80xi32, #tpu.memory_space<vmem>>) semaphore(%arg17 : memref<!tpu.dma_semaphore, #tpu.memory_space<semaphore_mem>>)
        } else {
        }
        %ge3A = arith.constant 2 : i32
        %ge3A_76 = arith.cmpi sge, %scan3A_33, %ge3A : i32
        %convert_element_type3A_77 = arith.extui %ge3A_76 : i1 to i32
        %cond3A_78 = arith.constant 0 : i32
        %cond3A_79 = arith.cmpi ne, %convert_element_type3A_77, %cond3A_78 : i32
        scf.if %cond3A_79 {
          tpu.wait_dma2 semaphore(%arg18 : memref<!tpu.dma_semaphore, #tpu.memory_space<semaphore_mem>>) src(%arg6 : memref<80x8xf32, #tpu.memory_space<hbm>>) dst(%arg13 : memref<80x8xf32, #tpu.memory_space<vmem>>)
        } else {
        }
        %dma_start3A_80 = arith.constant 0 : i32
        %dma_start3A_81 = tpu.memref_slice %arg10[%scan3A_33, %dma_start3A_80] : memref<125x80xi32, #tpu.memory_space<vmem>> -> memref<1x80xi32, #tpu.memory_space<vmem>>
        %dma_start3A_82 = tpu.memref_squeeze %dma_start3A_81 : memref<1x80xi32, #tpu.memory_space<vmem>> -> memref<80xi32, #tpu.memory_space<vmem>>
        %dma_start3A_83 = arith.constant 0 : i32
        %dma_start3A_84 = arith.constant 0 : i32
        %dma_start3A_85 = tpu.memref_slice %arg15[%dma_start3A_83, %dma_start3A_84] : memref<10240x8xf32, #tpu.memory_space<vmem_shared>> -> memref<10240x8xf32, #tpu.memory_space<vmem_shared>>
        tpu.enqueue_indirect_dma source(%arg13 : memref<80x8xf32, #tpu.memory_space<vmem>>) target(%dma_start3A_85 : memref<10240x8xf32, #tpu.memory_space<vmem_shared>>) offsets(%dma_start3A_82 : memref<80xi32, #tpu.memory_space<vmem>>) semaphore(%arg18 : memref<!tpu.dma_semaphore, #tpu.memory_space<semaphore_mem>>) {add = true}
        %dma_wait3A_86 = arith.constant 0 : i32
        %dma_wait3A_87 = arith.constant 0 : i32
        %dma_wait3A_88 = tpu.memref_slice %arg2[%dma_wait3A_86, %dma_wait3A_87] : memref<20000x128xf32, #tpu.memory_space<hbm>> -> memref<80x128xf32, #tpu.memory_space<hbm>>
        %dma_wait3A_89 = arith.constant 0 : i32
        %dma_wait3A_90 = arith.constant 0 : i32
        %dma_wait3A_91 = tpu.memref_slice %arg2[%dma_wait3A_89, %dma_wait3A_90] : memref<20000x128xf32, #tpu.memory_space<hbm>> -> memref<80x128xf32, #tpu.memory_space<hbm>>
        tpu.wait_dma2 semaphore(%arg16 : memref<!tpu.dma_semaphore, #tpu.memory_space<semaphore_mem>>) src(%dma_wait3A_91 : memref<80x128xf32, #tpu.memory_space<hbm>>) dst(%arg11 : memref<80x128xf32, #tpu.memory_space<vmem>>)
        %dma_start3A_92 = arith.constant 0 : i32
        %dma_start3A_93 = tpu.memref_slice %arg10[%scan3A_33, %dma_start3A_92] : memref<125x80xi32, #tpu.memory_space<vmem>> -> memref<1x80xi32, #tpu.memory_space<vmem>>
        %dma_start3A_94 = tpu.memref_squeeze %dma_start3A_93 : memref<1x80xi32, #tpu.memory_space<vmem>> -> memref<80xi32, #tpu.memory_space<vmem>>
        %dma_start3A_95 = arith.constant 0 : i32
        %dma_start3A_96 = arith.constant 0 : i32
        %dma_start3A_97 = tpu.memref_slice %arg14[%dma_start3A_95, %dma_start3A_96] : memref<10240x128xf32, #tpu.memory_space<vmem_shared>> -> memref<10240x128xf32, #tpu.memory_space<vmem_shared>>
        tpu.enqueue_indirect_dma source(%arg11 : memref<80x128xf32, #tpu.memory_space<vmem>>) target(%dma_start3A_97 : memref<10240x128xf32, #tpu.memory_space<vmem_shared>>) offsets(%dma_start3A_94 : memref<80xi32, #tpu.memory_space<vmem>>) semaphore(%arg20 : memref<!tpu.dma_semaphore, #tpu.memory_space<semaphore_mem>>) {add = true}
      } else {
      }
      %jit3A_48 = arith.constant 2 : i32
      %eq3A_49 = arith.constant 0 : i32
      %eq3A_50 = arith.cmpi eq, %jit3A_48, %eq3A_49 : i32
      %jit3A_51 = arith.constant 1 : i32
      %select_n3A_52 = arith.select %eq3A_50, %jit3A_51, %jit3A_48 : i32
      %rem3A_53 = arith.remsi %scan3A_33, %select_n3A_52 : i32
      %ne3A_54 = arith.constant 0 : i32
      %ne3A_55 = arith.cmpi ne, %rem3A_53, %ne3A_54 : i32
      %lt3A_56 = arith.constant 0 : i32
      %lt3A_57 = arith.cmpi slt, %rem3A_53, %lt3A_56 : i32
      %lt3A_58 = arith.constant 0 : i32
      %lt3A_59 = arith.cmpi slt, %select_n3A_52, %lt3A_58 : i32
      %ne3A_60 = arith.xori %lt3A_57, %lt3A_59 : i1
      %and3A_61 = arith.andi %ne3A_60, %ne3A_55 : i1
      %add3A_62 = arith.addi %rem3A_53, %select_n3A_52 : i32
      %select_n3A_63 = arith.select %and3A_61, %add3A_62, %rem3A_53 : i32
      %eq3A_64 = arith.constant 1 : i32
      %eq3A_65 = arith.cmpi eq, %select_n3A_63, %eq3A_64 : i32
      %convert_element_type3A_66 = arith.extui %eq3A_65 : i1 to i32
      %cond3A_67 = arith.constant 0 : i32
      %cond3A_68 = arith.cmpi ne, %convert_element_type3A_66, %cond3A_67 : i32
      scf.if %cond3A_68 {
        %add3A_69 = arith.constant 1 : i32
        %add3A_70 = arith.addi %scan3A_33, %add3A_69 : i32
        %lt3A_71 = arith.constant 125 : i32
        %lt3A_72 = arith.cmpi slt, %add3A_70, %lt3A_71 : i32
        %convert_element_type3A_73 = arith.extui %lt3A_72 : i1 to i32
        %cond3A_74 = arith.constant 0 : i32
        %cond3A_75 = arith.cmpi ne, %convert_element_type3A_73, %cond3A_74 : i32
        scf.if %cond3A_75 {
          %ge3A_98 = arith.constant 1 : i32
          %ge3A_99 = arith.cmpi sge, %scan3A_33, %ge3A_98 : i32
          %convert_element_type3A_100 = arith.extui %ge3A_99 : i1 to i32
          %cond3A_101 = arith.constant 0 : i32
          %cond3A_102 = arith.cmpi ne, %convert_element_type3A_100, %cond3A_101 : i32
          scf.if %cond3A_102 {
            %dma_wait3A_111 = arith.constant 0 : i32
            %dma_wait3A_112 = arith.constant 0 : i32
            %dma_wait3A_113 = tpu.memref_slice %arg2[%dma_wait3A_111, %dma_wait3A_112] : memref<20000x128xf32, #tpu.memory_space<hbm>> -> memref<80x128xf32, #tpu.memory_space<hbm>>
            %dma_wait3A_114 = arith.constant 0 : i32
            %dma_wait3A_115 = arith.constant 0 : i32
            %dma_wait3A_116 = tpu.memref_slice %arg2[%dma_wait3A_114, %dma_wait3A_115] : memref<20000x128xf32, #tpu.memory_space<hbm>> -> memref<80x128xf32, #tpu.memory_space<hbm>>
            tpu.wait_dma2 semaphore(%arg20 : memref<!tpu.dma_semaphore, #tpu.memory_space<semaphore_mem>>) src(%dma_wait3A_116 : memref<80x128xf32, #tpu.memory_space<hbm>>) dst(%arg11 : memref<80x128xf32, #tpu.memory_space<vmem>>)
          } else {
          }
          %add3A_103 = arith.constant 1 : i32
          %add3A_104 = arith.addi %scan3A_33, %add3A_103 : i32
          %dma_start3A_105 = arith.constant 0 : i32
          %dma_start3A_106 = tpu.memref_slice %arg9[%add3A_104, %dma_start3A_105] : memref<125x80xi32, #tpu.memory_space<vmem>> -> memref<1x80xi32, #tpu.memory_space<vmem>>
          %dma_start3A_107 = tpu.memref_squeeze %dma_start3A_106 : memref<1x80xi32, #tpu.memory_space<vmem>> -> memref<80xi32, #tpu.memory_space<vmem>>
          %dma_start3A_108 = arith.constant 0 : i32
          %dma_start3A_109 = arith.constant 0 : i32
          %dma_start3A_110 = tpu.memref_slice %arg2[%dma_start3A_108, %dma_start3A_109] : memref<20000x128xf32, #tpu.memory_space<hbm>> -> memref<20000x128xf32, #tpu.memory_space<hbm>>
          tpu.enqueue_indirect_dma source(%dma_start3A_110 : memref<20000x128xf32, #tpu.memory_space<hbm>>) target(%arg11 : memref<80x128xf32, #tpu.memory_space<vmem>>) offsets(%dma_start3A_107 : memref<80xi32, #tpu.memory_space<vmem>>) semaphore(%arg16 : memref<!tpu.dma_semaphore, #tpu.memory_space<semaphore_mem>>)
        } else {
        }
        %ge3A = arith.constant 2 : i32
        %ge3A_76 = arith.cmpi sge, %scan3A_33, %ge3A : i32
        %convert_element_type3A_77 = arith.extui %ge3A_76 : i1 to i32
        %cond3A_78 = arith.constant 0 : i32
        %cond3A_79 = arith.cmpi ne, %convert_element_type3A_77, %cond3A_78 : i32
        scf.if %cond3A_79 {
          tpu.wait_dma2 semaphore(%arg19 : memref<!tpu.dma_semaphore, #tpu.memory_space<semaphore_mem>>) src(%arg6 : memref<80x8xf32, #tpu.memory_space<hbm>>) dst(%arg13 : memref<80x8xf32, #tpu.memory_space<vmem>>)
        } else {
        }
        %dma_start3A_80 = arith.constant 0 : i32
        %dma_start3A_81 = tpu.memref_slice %arg10[%scan3A_33, %dma_start3A_80] : memref<125x80xi32, #tpu.memory_space<vmem>> -> memref<1x80xi32, #tpu.memory_space<vmem>>
        %dma_start3A_82 = tpu.memref_squeeze %dma_start3A_81 : memref<1x80xi32, #tpu.memory_space<vmem>> -> memref<80xi32, #tpu.memory_space<vmem>>
        %dma_start3A_83 = arith.constant 0 : i32
        %dma_start3A_84 = arith.constant 0 : i32
        %dma_start3A_85 = tpu.memref_slice %arg15[%dma_start3A_83, %dma_start3A_84] : memref<10240x8xf32, #tpu.memory_space<vmem_shared>> -> memref<10240x8xf32, #tpu.memory_space<vmem_shared>>
        tpu.enqueue_indirect_dma source(%arg13 : memref<80x8xf32, #tpu.memory_space<vmem>>) target(%dma_start3A_85 : memref<10240x8xf32, #tpu.memory_space<vmem_shared>>) offsets(%dma_start3A_82 : memref<80xi32, #tpu.memory_space<vmem>>) semaphore(%arg19 : memref<!tpu.dma_semaphore, #tpu.memory_space<semaphore_mem>>) {add = true}
        %dma_wait3A_86 = arith.constant 0 : i32
        %dma_wait3A_87 = arith.constant 0 : i32
        %dma_wait3A_88 = tpu.memref_slice %arg2[%dma_wait3A_86, %dma_wait3A_87] : memref<20000x128xf32, #tpu.memory_space<hbm>> -> memref<80x128xf32, #tpu.memory_space<hbm>>
        %dma_wait3A_89 = arith.constant 0 : i32
        %dma_wait3A_90 = arith.constant 0 : i32
        %dma_wait3A_91 = tpu.memref_slice %arg2[%dma_wait3A_89, %dma_wait3A_90] : memref<20000x128xf32, #tpu.memory_space<hbm>> -> memref<80x128xf32, #tpu.memory_space<hbm>>
        tpu.wait_dma2 semaphore(%arg17 : memref<!tpu.dma_semaphore, #tpu.memory_space<semaphore_mem>>) src(%dma_wait3A_91 : memref<80x128xf32, #tpu.memory_space<hbm>>) dst(%arg12 : memref<80x128xf32, #tpu.memory_space<vmem>>)
        %dma_start3A_92 = arith.constant 0 : i32
        %dma_start3A_93 = tpu.memref_slice %arg10[%scan3A_33, %dma_start3A_92] : memref<125x80xi32, #tpu.memory_space<vmem>> -> memref<1x80xi32, #tpu.memory_space<vmem>>
        %dma_start3A_94 = tpu.memref_squeeze %dma_start3A_93 : memref<1x80xi32, #tpu.memory_space<vmem>> -> memref<80xi32, #tpu.memory_space<vmem>>
        %dma_start3A_95 = arith.constant 0 : i32
        %dma_start3A_96 = arith.constant 0 : i32
        %dma_start3A_97 = tpu.memref_slice %arg14[%dma_start3A_95, %dma_start3A_96] : memref<10240x128xf32, #tpu.memory_space<vmem_shared>> -> memref<10240x128xf32, #tpu.memory_space<vmem_shared>>
        tpu.enqueue_indirect_dma source(%arg12 : memref<80x128xf32, #tpu.memory_space<vmem>>) target(%dma_start3A_97 : memref<10240x128xf32, #tpu.memory_space<vmem_shared>>) offsets(%dma_start3A_94 : memref<80xi32, #tpu.memory_space<vmem>>) semaphore(%arg21 : memref<!tpu.dma_semaphore, #tpu.memory_space<semaphore_mem>>) {add = true}
      } else {
      }
    }
    %scan3A_18 = arith.constant 125 : i32
    %dma_wait3A = arith.constant 0 : i32
    %dma_wait3A_19 = arith.constant 0 : i32
    %dma_wait3A_20 = tpu.memref_slice %arg2[%dma_wait3A, %dma_wait3A_19] : memref<20000x128xf32, #tpu.memory_space<hbm>> -> memref<80x128xf32, #tpu.memory_space<hbm>>
    %dma_wait3A_21 = arith.constant 0 : i32
    %dma_wait3A_22 = arith.constant 0 : i32
    %dma_wait3A_23 = tpu.memref_slice %arg2[%dma_wait3A_21, %dma_wait3A_22] : memref<20000x128xf32, #tpu.memory_space<hbm>> -> memref<80x128xf32, #tpu.memory_space<hbm>>
    tpu.wait_dma2 semaphore(%arg20 : memref<!tpu.dma_semaphore, #tpu.memory_space<semaphore_mem>>) src(%dma_wait3A_23 : memref<80x128xf32, #tpu.memory_space<hbm>>) dst(%arg11 : memref<80x128xf32, #tpu.memory_space<vmem>>)
    %dma_wait3A_24 = arith.constant 0 : i32
    %dma_wait3A_25 = arith.constant 0 : i32
    %dma_wait3A_26 = tpu.memref_slice %arg2[%dma_wait3A_24, %dma_wait3A_25] : memref<20000x128xf32, #tpu.memory_space<hbm>> -> memref<80x128xf32, #tpu.memory_space<hbm>>
    %dma_wait3A_27 = arith.constant 0 : i32
    %dma_wait3A_28 = arith.constant 0 : i32
    %dma_wait3A_29 = tpu.memref_slice %arg2[%dma_wait3A_27, %dma_wait3A_28] : memref<20000x128xf32, #tpu.memory_space<hbm>> -> memref<80x128xf32, #tpu.memory_space<hbm>>
    tpu.wait_dma2 semaphore(%arg21 : memref<!tpu.dma_semaphore, #tpu.memory_space<semaphore_mem>>) src(%dma_wait3A_29 : memref<80x128xf32, #tpu.memory_space<hbm>>) dst(%arg12 : memref<80x128xf32, #tpu.memory_space<vmem>>)
    tpu.wait_dma2 semaphore(%arg18 : memref<!tpu.dma_semaphore, #tpu.memory_space<semaphore_mem>>) src(%arg6 : memref<80x8xf32, #tpu.memory_space<hbm>>) dst(%arg13 : memref<80x8xf32, #tpu.memory_space<vmem>>)
    tpu.wait_dma2 semaphore(%arg19 : memref<!tpu.dma_semaphore, #tpu.memory_space<semaphore_mem>>) src(%arg6 : memref<80x8xf32, #tpu.memory_space<hbm>>) dst(%arg13 : memref<80x8xf32, #tpu.memory_space<vmem>>)
    %barrier3A_30 = arith.constant 0 : index
    tpu.barrier barrier_id(%barrier3A_30)
    "tpu.region"() ({
      %run_scoped3A_33 = tpu.sem_alloc : memref<!tpu.dma_semaphore, #tpu.memory_space<semaphore_mem>>
      %dma_start3A_34 = arith.constant 0 : i32
      %dma_start3A_35 = tpu.memref_slice %arg7[%arg0, %mul3A_0, %dma_start3A_34] : memref<2x10240x128xf32, #tpu.memory_space<hbm>> -> memref<1x640x128xf32, #tpu.memory_space<hbm>>
      %dma_start3A_36 = tpu.memref_squeeze %dma_start3A_35 : memref<1x640x128xf32, #tpu.memory_space<hbm>> -> memref<640x128xf32, #tpu.memory_space<hbm>>
      %dma_start3A_37 = arith.constant 0 : i32
      %dma_start3A_38 = tpu.memref_slice %arg14[%mul3A_0, %dma_start3A_37] : memref<10240x128xf32, #tpu.memory_space<vmem_shared>> -> memref<640x128xf32, #tpu.memory_space<vmem_shared>>
      tpu.enqueue_dma source(%dma_start3A_38 : memref<640x128xf32, #tpu.memory_space<vmem_shared>>) target(%dma_start3A_36 : memref<640x128xf32, #tpu.memory_space<hbm>>) target_semaphore(%run_scoped3A_33 : memref<!tpu.dma_semaphore, #tpu.memory_space<semaphore_mem>>)
      %dma_wait3A_39 = arith.constant 0 : i32
      %dma_wait3A_40 = tpu.memref_slice %arg7[%arg0, %mul3A_0, %dma_wait3A_39] : memref<2x10240x128xf32, #tpu.memory_space<hbm>> -> memref<1x640x128xf32, #tpu.memory_space<hbm>>
      %dma_wait3A_41 = tpu.memref_squeeze %dma_wait3A_40 : memref<1x640x128xf32, #tpu.memory_space<hbm>> -> memref<640x128xf32, #tpu.memory_space<hbm>>
      %dma_wait3A_42 = arith.constant 0 : i32
      %dma_wait3A_43 = tpu.memref_slice %arg14[%mul3A_0, %dma_wait3A_42] : memref<10240x128xf32, #tpu.memory_space<vmem_shared>> -> memref<640x128xf32, #tpu.memory_space<vmem_shared>>
      tpu.wait_dma2 semaphore(%run_scoped3A_33 : memref<!tpu.dma_semaphore, #tpu.memory_space<semaphore_mem>>) src(%dma_wait3A_43 : memref<640x128xf32, #tpu.memory_space<vmem_shared>>) dst(%dma_wait3A_41 : memref<640x128xf32, #tpu.memory_space<hbm>>)
      tpu.yield
    }) : () -> ()
    %eq3A = arith.constant 0 : i32
    %eq3A_31 = arith.cmpi eq, %arg0, %eq3A : i32
    %convert_element_type3A = arith.extui %eq3A_31 : i1 to i32
    %cond3A = arith.constant 0 : i32
    %cond3A_32 = arith.cmpi ne, %convert_element_type3A, %cond3A : i32
    scf.if %cond3A_32 {
      "tpu.region"() ({
        %run_scoped3A_33 = tpu.sem_alloc : memref<!tpu.dma_semaphore, #tpu.memory_space<semaphore_mem>>
        %dma_start3A_34 = arith.constant 0 : i32
        %dma_start3A_35 = tpu.memref_slice %arg8[%mul3A_0, %dma_start3A_34] : memref<10240x8xf32, #tpu.memory_space<hbm>> -> memref<640x8xf32, #tpu.memory_space<hbm>>
        %dma_start3A_36 = arith.constant 0 : i32
        %dma_start3A_37 = tpu.memref_slice %arg15[%mul3A_0, %dma_start3A_36] : memref<10240x8xf32, #tpu.memory_space<vmem_shared>> -> memref<640x8xf32, #tpu.memory_space<vmem_shared>>
        tpu.enqueue_dma source(%dma_start3A_37 : memref<640x8xf32, #tpu.memory_space<vmem_shared>>) target(%dma_start3A_35 : memref<640x8xf32, #tpu.memory_space<hbm>>) target_semaphore(%run_scoped3A_33 : memref<!tpu.dma_semaphore, #tpu.memory_space<semaphore_mem>>)
        %dma_wait3A_38 = arith.constant 0 : i32
        %dma_wait3A_39 = tpu.memref_slice %arg8[%mul3A_0, %dma_wait3A_38] : memref<10240x8xf32, #tpu.memory_space<hbm>> -> memref<640x8xf32, #tpu.memory_space<hbm>>
        %dma_wait3A_40 = arith.constant 0 : i32
        %dma_wait3A_41 = tpu.memref_slice %arg15[%mul3A_0, %dma_wait3A_40] : memref<10240x8xf32, #tpu.memory_space<vmem_shared>> -> memref<640x8xf32, #tpu.memory_space<vmem_shared>>
        tpu.wait_dma2 semaphore(%run_scoped3A_33 : memref<!tpu.dma_semaphore, #tpu.memory_space<semaphore_mem>>) src(%dma_wait3A_41 : memref<640x8xf32, #tpu.memory_space<vmem_shared>>) dst(%dma_wait3A_39 : memref<640x8xf32, #tpu.memory_space<hbm>>)
        tpu.yield
      }) : () -> ()
    } else {
    }
    return
  }
}

module attributes {stable_mosaic.version = 14 : i64} {
  func.func @body(%arg0: i32, %arg1: memref<1x1000x128xf32, #tpu.memory_space<vmem>>, %arg2: memref<1x1000x128xf32, #tpu.memory_space<vmem>>, %arg3: memref<1000x8xf32, #tpu.memory_space<vmem>>, %arg4: memref<1000x256xf32, #tpu.memory_space<vmem>>, %arg5: memref<512x128xf32, #tpu.memory_space<vmem>>, %arg6: memref<512x128xf32, #tpu.memory_space<vmem>>, %arg7: memref<512x256xf32, #tpu.memory_space<vmem>>, %arg8: memref<1x512xf32, #tpu.memory_space<vmem>>, %arg9: memref<1000x512xf32, #tpu.memory_space<vmem>>) attributes {dimension_semantics = [#tpu.dimension_semantics<arbitrary>], iteration_bounds = array<i64: 10>, scalar_prefetch = 0 : i64, scratch_operands = 0 : i64, tpu.core_type = #tpu.core_type<tc>, window_params = [{transform_indices = @transform_0, window_bounds = array<i64: 1, 1000, 128>}, {transform_indices = @transform_1, window_bounds = array<i64: 1, 1000, 128>}, {transform_indices = @transform_2, window_bounds = array<i64: 1000, 8>}, {transform_indices = @transform_3, window_bounds = array<i64: 1000, 256>}, {pipeline_mode = #tpu.pipeline_mode<synchronous>, transform_indices = @transform_4, window_bounds = array<i64: 512, 128>}, {pipeline_mode = #tpu.pipeline_mode<synchronous>, transform_indices = @transform_5, window_bounds = array<i64: 512, 128>}, {pipeline_mode = #tpu.pipeline_mode<synchronous>, transform_indices = @transform_6, window_bounds = array<i64: 512, 256>}, {pipeline_mode = #tpu.pipeline_mode<synchronous>, transform_indices = @transform_7, window_bounds = array<i64: 1, 512>}, {transform_indices = @transform_8, window_bounds = array<i64: 1000, 512>}]} {
    %get3A = arith.constant 0 : index
    %get3A_0 = arith.constant 0 : index
    %get3A_1 = vector.load %arg3[%get3A, %get3A_0] : memref<1000x8xf32, #tpu.memory_space<vmem>>, vector<1000x1xf32>
    %max3A = arith.constant 1.000000e+00 : f32
    %max3A_2 = vector.broadcast %max3A : f32 to vector<1000x1xf32>
    %max3A_3 = arith.maximumf %get3A_1, %max3A_2 : vector<1000x1xf32>
    %get3A_4 = arith.constant 0 : index
    %get3A_5 = arith.constant 0 : index
    %get3A_6 = arith.constant 0 : index
    %get3A_7 = vector.load %arg1[%get3A_4, %get3A_5, %get3A_6] : memref<1x1000x128xf32, #tpu.memory_space<vmem>>, vector<1x1000x128xf32>
    %get3A_8 = vector.shape_cast %get3A_7 : vector<1x1000x128xf32> to vector<1000x128xf32>
    %div3A = vector.broadcast %max3A_3 : vector<1000x1xf32> to vector<1000x128xf32>
    %div3A_9 = arith.divf %get3A_8, %div3A : vector<1000x128xf32>
    %get3A_10 = arith.constant 0 : index
    %get3A_11 = arith.constant 0 : index
    %get3A_12 = arith.constant 0 : index
    %get3A_13 = vector.load %arg2[%get3A_10, %get3A_11, %get3A_12] : memref<1x1000x128xf32, #tpu.memory_space<vmem>>, vector<1x1000x128xf32>
    %get3A_14 = vector.shape_cast %get3A_13 : vector<1x1000x128xf32> to vector<1000x128xf32>
    %div3A_15 = vector.broadcast %max3A_3 : vector<1000x1xf32> to vector<1000x128xf32>
    %div3A_16 = arith.divf %get3A_14, %div3A_15 : vector<1000x128xf32>
    %get3A_17 = arith.constant 0 : index
    %get3A_18 = arith.constant 0 : index
    %get3A_19 = vector.load %arg5[%get3A_17, %get3A_18] : memref<512x128xf32, #tpu.memory_space<vmem>>, vector<512x128xf32>
    %dot_general3A = arith.constant dense<0.000000e+00> : vector<1000x512xf32>
    %dot_general3A_20 = tpu.matmul %div3A_9, %get3A_19, %dot_general3A {dimension_numbers = #tpu.dot_dimension_numbers<[1], [1], [0], [0], [0, 0, 1, 0], [], []>, transpose_lhs_hint = false} : vector<1000x128xf32>, vector<512x128xf32>, vector<1000x512xf32> -> vector<1000x512xf32>
    %get3A_21 = arith.constant 0 : index
    %get3A_22 = arith.constant 0 : index
    %get3A_23 = vector.load %arg6[%get3A_21, %get3A_22] : memref<512x128xf32, #tpu.memory_space<vmem>>, vector<512x128xf32>
    %dot_general3A_24 = arith.constant dense<0.000000e+00> : vector<1000x512xf32>
    %dot_general3A_25 = tpu.matmul %div3A_16, %get3A_23, %dot_general3A_24 {dimension_numbers = #tpu.dot_dimension_numbers<[1], [1], [0], [0], [0, 0, 1, 0], [], []>, transpose_lhs_hint = false} : vector<1000x128xf32>, vector<512x128xf32>, vector<1000x512xf32> -> vector<1000x512xf32>
    %add3A = arith.addf %dot_general3A_20, %dot_general3A_25 : vector<1000x512xf32>
    %get3A_26 = arith.constant 0 : index
    %get3A_27 = arith.constant 0 : index
    %get3A_28 = vector.load %arg4[%get3A_26, %get3A_27] : memref<1000x256xf32, #tpu.memory_space<vmem>>, vector<1000x256xf32>
    %get3A_29 = arith.constant 0 : index
    %get3A_30 = arith.constant 0 : index
    %get3A_31 = vector.load %arg7[%get3A_29, %get3A_30] : memref<512x256xf32, #tpu.memory_space<vmem>>, vector<512x256xf32>
    %dot_general3A_32 = arith.constant dense<0.000000e+00> : vector<1000x512xf32>
    %dot_general3A_33 = tpu.matmul %get3A_28, %get3A_31, %dot_general3A_32 {dimension_numbers = #tpu.dot_dimension_numbers<[1], [1], [0], [0], [0, 0, 1, 0], [], []>, transpose_lhs_hint = false} : vector<1000x256xf32>, vector<512x256xf32>, vector<1000x512xf32> -> vector<1000x512xf32>
    %add3A_34 = arith.addf %add3A, %dot_general3A_33 : vector<1000x512xf32>
    %get3A_35 = arith.constant 0 : index
    %get3A_36 = arith.constant 0 : index
    %get3A_37 = vector.load %arg8[%get3A_35, %get3A_36] : memref<1x512xf32, #tpu.memory_space<vmem>>, vector<1x512xf32>
    %add3A_38 = vector.broadcast %get3A_37 : vector<1x512xf32> to vector<1000x512xf32>
    %add3A_39 = arith.addf %add3A_34, %add3A_38 : vector<1000x512xf32>
    %max3A_40 = arith.constant 0.000000e+00 : f32
    %max3A_41 = vector.broadcast %max3A_40 : f32 to vector<1000x512xf32>
    %max3A_42 = arith.maximumf %add3A_39, %max3A_41 : vector<1000x512xf32>
    %swap3A = arith.constant 0 : index
    %swap3A_43 = arith.constant 0 : index
    %swap3A_44 = vector.load %arg9[%swap3A, %swap3A_43] : memref<1000x512xf32, #tpu.memory_space<vmem>>, vector<1000x512xf32>
    tpu.vector_store %arg9[%swap3A, %swap3A_43], %max3A_42 {strides = array<i32>} : memref<1000x512xf32, #tpu.memory_space<vmem>>, vector<1000x512xf32>,
    return
  }
  func.func @transform_0(%arg0: i32) -> (i32, i32, i32) {
    %c0_i32 = arith.constant 0 : i32
    %c0_i32_0 = arith.constant 0 : i32
    %c0_i32_1 = arith.constant 0 : i32
    return %c0_i32, %arg0, %c0_i32_0 : i32, i32, i32
  }
  func.func @transform_1(%arg0: i32) -> (i32, i32, i32) {
    %c1_i32 = arith.constant 1 : i32
    %c0_i32 = arith.constant 0 : i32
    %c0_i32_0 = arith.constant 0 : i32
    return %c1_i32, %arg0, %c0_i32 : i32, i32, i32
  }
  func.func @transform_2(%arg0: i32) -> (i32, i32) {
    %c0_i32 = arith.constant 0 : i32
    %c0_i32_0 = arith.constant 0 : i32
    return %arg0, %c0_i32 : i32, i32
  }
  func.func @transform_3(%arg0: i32) -> (i32, i32) {
    %c0_i32 = arith.constant 0 : i32
    %c0_i32_0 = arith.constant 0 : i32
    return %arg0, %c0_i32 : i32, i32
  }
  func.func @transform_4(%arg0: i32) -> (i32, i32) {
    %c0_i32 = arith.constant 0 : i32
    %c0_i32_0 = arith.constant 0 : i32
    %c0_i32_1 = arith.constant 0 : i32
    return %c0_i32, %c0_i32_0 : i32, i32
  }
  func.func @transform_5(%arg0: i32) -> (i32, i32) {
    %c0_i32 = arith.constant 0 : i32
    %c0_i32_0 = arith.constant 0 : i32
    %c0_i32_1 = arith.constant 0 : i32
    return %c0_i32, %c0_i32_0 : i32, i32
  }
  func.func @transform_6(%arg0: i32) -> (i32, i32) {
    %c0_i32 = arith.constant 0 : i32
    %c0_i32_0 = arith.constant 0 : i32
    %c0_i32_1 = arith.constant 0 : i32
    return %c0_i32, %c0_i32_0 : i32, i32
  }
  func.func @transform_7(%arg0: i32) -> (i32, i32) {
    %c0_i32 = arith.constant 0 : i32
    %c0_i32_0 = arith.constant 0 : i32
    %c0_i32_1 = arith.constant 0 : i32
    return %c0_i32, %c0_i32_0 : i32, i32
  }
  func.func @transform_8(%arg0: i32) -> (i32, i32) {
    %c0_i32 = arith.constant 0 : i32
    %c0_i32_0 = arith.constant 0 : i32
    return %arg0, %c0_i32 : i32, i32
  }
}

</mosaic_0001>

<sc_bundles>
// kernel: kernel.4.cloned.1.call-start
scs
__scs_entry_jumppad:
0x0: {  	(pc) =	sbr.rel $0x88, $3  }
0x1: {  	(tag) =	ssettag $0x0;
	lr =	simm.s32 $0x1  }
0x2: {  	[smem:$0x3F9C] =	sst lr;
	_ =	strace $0xD0000000  }
0x3: {  	_ = 	snop  }
0x4: {  	_ = 	snop  }
0x5: {  	_ = 	snop  }
0x6: {  	_ = 	snop  }
0x7: {  	_ = 	snop  }
__scs_overlays_trampoline_lowered:
0x8: {  	[smem:$0x3FAB] =	sst s0  }
0x9: {  	[smem:$0x3FAC] =	sst s1  }
0xa: {  	[smem:$0x3FAD] =	sst s2  }
0xb: {  	[smem:$0x3FAE] =	sst s3  }
0xc: {  	[smem:$0x3FAF] =	sst s4  }
0xd: {  	[smem:$0x3FB0] =	sst s5  }
0xe: {  	[smem:$0x3FB1] =	sst s6  }
0xf: {  	[smem:$0x3FB2] =	sst s7  }
0x10: {  	[smem:$0x3FB3] =	sst s8  }
0x11: {  	[smem:$0x3FB4] =	sst s9;
	s0 =	simm.s32 @!p0 $0x0  }
0x12: {  	s1 =	sld [smem:$0x3F9A];
	s0 =	simm.s32 @p0 $0x1  }
0x13: {  	[smem:$0x3FB5] =	sst s0;
	s0 =	simm.s32 @!p1 $0x0  }
0x14: {  	s2 =	sld [smem:$0x3F99];
	s0 =	simm.s32 @p1 $0x1  }
0x15: {  	[smem:$0x3FB6] =	sst s0;
	s0 =	simm.s32 @!p2 $0x0  }
0x16: {  	s3 =	sld [smem:$0x3FDB];
	s0 =	simm.s32 @p2 $0x1  }
0x17: {  	s4 =	simm.s32 $0x1BF5;
	[smem:$0x3FB8] =	sst s0  }
0x18: {  	s0 =	sld [smem:$0x3F9B];
	_ =	swait.ge [sflag:s4], $0x0  }
0x19: {  	s7 =	sld [smem:$0x3F9C]  }
0x1a: {  	s8 =	sadd.s32 $0xFFFFE003, lr  }
0x1b: {  	s9 =	sadd.s32 $0xFFFFFEF7, lr;
	s5 =	simm.s32 $0xFFFFFFFF;
	p2 =	slt.u32 s8, $0xFFFFF086  }
0x1c: {  	p1 =	slt.u32 s9, $0xF7A;
	s5 =	simm.s32 @!p2 $0x0  }
0x1d: {  	s5 =	simm.s32 @p1 $0x1;
	p0 =	seq.s32 s7, s2  }
0x1e: {  	s7 =	smul.u32 @!p0 $0xF7A, s2;
	p2 =	seq.s32 @!p0 s5, $0x0  }
0x1f: {  	s9 =	smul.u32 $0xF7A, s1;
	s8 =	simm.s32 @!p0 $0x1BF5;
	p2 =	por !p2, p0  }
0x20: {  	[sflag:s8] =	ssyncset.s32 @!p0 $0xFFFFF086;
	s6 =	sadd.s32 @!p0 s3, s7;
	s7 =	simm.s32 @!p0 $0x108  }
0x21: {  	s3 =	sadd.s32 s3, s9;
	s6 =	sadd.s32 @!p0 $0x88, s6;
	s7 =	simm.s32 @p2 $0x1082  }
0x22: {  	[simem:s7], [sflag:s8] =	dma.local @!p0 [hbm:s6], $0xF7A  }
0x23: {  	s9 =	sor.u32 $0xD0000000, s2;
	s6 =	simm.s32 $0x108;
	_ =	swait.ge @!p0 [sflag:s8], $0x0  }
0x24: {  	s3 =	sadd.s32 $0x88, s3;
	s6 =	simm.s32 @!p1 $0x1082;
	[sflag:s4] =	ssyncset.s32 $0xFFFFF086  }
0x25: {  	[simem:s6], [sflag:s4] =	dma.local [hbm:s3], $0xF7A  }
0x26: {  	[smem:$0x3F9C] =	sst s1;
	(tag) =	ssettag s2;
	_ =	strace s9  }
0x27: {  	s1 =	sld [smem:$0x3FAC]  }
0x28: {  	s2 =	sld [smem:$0x3FAD]  }
0x29: {  	s4 =	sld [smem:$0x3FAF]  }
0x2a: {  	p0 =	seq.s32 s5, $0x0;
	s5 =	sld [smem:$0x3FB0]  }
0x2b: {  	s6 =	sld [smem:$0x3FB1]  }
0x2c: {  	s7 =	sld [smem:$0x3FB2]  }
0x2d: {  	s3 =	simm.s32 $0x108;
	s8 =	sld [smem:$0x3FB3]  }
0x2e: {  	s3 =	simm.s32 @!p0 $0x1082;
	s9 =	sld [smem:$0x3FB4]  }
0x2f: {  	lr =	sadd.s32 s0, s3;
	s0 =	sld [smem:$0x3FAB]  }
0x30: {  	s3 =	sld [smem:$0x3FAE]  }
0x31: {  	[smem:$0x3FB7] =	sst s10  }
0x32: {  	s10 =	sld [smem:$0x3FB5];
	_ =	sdelay $0x3  }
0x33: {  	p0 =	seq.s32 s10, $0x1;
	s10 =	sld [smem:$0x3FB7];
	_ =	sdelay $0x3  }
0x34: {  	[smem:$0x3FB7] =	sst s10  }
0x35: {  	s10 =	sld [smem:$0x3FB6];
	_ =	sdelay $0x3  }
0x36: {  	p1 =	seq.s32 s10, $0x1;
	s10 =	sld [smem:$0x3FB7];
	_ =	sdelay $0x3  }
0x37: {  	[smem:$0x3FB7] =	sst s10  }
0x38: {  	s10 =	sld [smem:$0x3FB8]  }
0x39: {  	_ = 	snop;
	(pc) =	sbr.ind lr, $3  }
0x3a: {  	_ = 	snop  }
0x3b: {  	_ = 	snop  }
0x3c: {  	p2 =	seq.s32 s10, $0x1;
	s10 =	sld [smem:$0x3FB7]  }
0x3d: {  	_ =	shalt  }
0x3e: {  	_ =	shalt  }
0x3f: {  	_ =	shalt  }
0x40: {  	_ =	shalt  }
0x41: {  	_ =	shalt  }
0x42: {  	_ =	shalt  }
0x43: {  	_ =	shalt  }
0x44: {  	_ =	shalt  }
0x45: {  	_ =	shalt  }
0x46: {  	_ =	shalt  }
0x47: {  	_ =	shalt  }
0x48: {  	_ =	shalt  }
0x49: {  	_ =	shalt  }
0x4a: {  	_ =	shalt  }
0x4b: {  	_ =	shalt  }
0x4c: {  	_ =	shalt  }
0x4d: {  	_ =	shalt  }
0x4e: {  	_ =	shalt  }
0x4f: {  	_ =	shalt  }
0x50: {  	_ =	shalt  }
0x51: {  	_ =	shalt  }
0x52: {  	_ =	shalt  }
0x53: {  	_ =	shalt  }
0x54: {  	_ =	shalt  }
0x55: {  	_ =	shalt  }
0x56: {  	_ =	shalt  }
0x57: {  	_ =	shalt  }
0x58: {  	_ =	shalt  }
0x59: {  	_ =	shalt  }
0x5a: {  	_ =	shalt  }
0x5b: {  	_ =	shalt  }
0x5c: {  	_ =	shalt  }
0x5d: {  	_ =	shalt  }
0x5e: {  	_ =	shalt  }
0x5f: {  	_ =	shalt  }
0x60: {  	_ =	shalt  }
0x61: {  	_ =	shalt  }
0x62: {  	_ =	shalt  }
0x63: {  	_ =	shalt  }
0x64: {  	_ =	shalt  }
0x65: {  	_ =	shalt  }
0x66: {  	_ =	shalt  }
0x67: {  	_ =	shalt  }
0x68: {  	_ =	shalt  }
0x69: {  	_ =	shalt  }
0x6a: {  	_ =	shalt  }
0x6b: {  	_ =	shalt  }
0x6c: {  	_ =	shalt  }
0x6d: {  	_ =	shalt  }
0x6e: {  	_ =	shalt  }
0x6f: {  	_ =	shalt  }
0x70: {  	_ =	shalt  }
0x71: {  	_ =	shalt  }
0x72: {  	_ =	shalt  }
0x73: {  	_ =	shalt  }
0x74: {  	_ =	shalt  }
0x75: {  	_ =	shalt  }
0x76: {  	_ =	shalt  }
0x77: {  	_ =	shalt  }
0x78: {  	_ =	shalt  }
0x79: {  	_ =	shalt  }
0x7a: {  	_ =	shalt  }
0x7b: {  	_ =	shalt  }
0x7c: {  	_ =	shalt  }
0x7d: {  	_ =	shalt  }
0x7e: {  	_ =	shalt  }
0x7f: {  	_ =	shalt  }
0x80: {  	_ =	shalt  }
0x81: {  	_ =	shalt  }
0x82: {  	_ =	shalt  }
0x83: {  	_ =	shalt  }
0x84: {  	_ =	shalt  }
0x85: {  	_ =	shalt  }
0x86: {  	_ =	shalt  }
0x87: {  	_ =	shalt  }
.Lfunc_end0:
.L_simem_size_0:
called_computation_lowered:
.L_overlay_start_0:
0x88: {  	s2 =	sld [smem:$0x3FD9]  }
0x89: {  	s3 =	sld [smem:$0x3FFE];
	_ =	sdelay $0x1  }
0x8a: {  	s1 =	srdreg.scid  }
0x8b: {  	s0 =	sand.u32 $0x1, s1  }
0x8c: {  	s17 =	sshll.u32 s0, $0xA;
	s2 =	sadd.s32 s3, s2  }
0x8d: {  	s2 =	sadd.s32 s2, s17  }
0x8e: {  	[smem:$0x3FC3] =	sst s2  }
0x8f: {  	_ = 	snop  }
0x90: {  	s2 =	sld [smem:$0x3FD0];
	(tm) =	ssettm $0x1  }
0x91: {  	s18 =	sld [smem:$0x3FFB];
	_ =	sdelay $0x3  }
0x92: {  	_ =	strace s18  }
0x93: {  	s3 =	sld [smem:$0x3FFC];
	_ =	sdelay $0x3  }
0x94: {  	_ =	strace s3  }
0x95: {  	s3 =	sld [smem:$0x3FFD];
	_ =	sdelay $0x3  }
0x96: {  	_ =	strace s3  }
0x97: {  	_ =	strace $0x8FFFFFFF  }
0x98: {  	s19 =	sld [smem:$0x3FDB];
	_ =	sdelay $0x1  }
0x99: {  	s4 =	simm.s32 $_scs_section_size  }
0x9a: {  	s5 =	simm.s32 $_size__tile_overlayer_lowered;
	s6 =	simm.s32 $_tile_overlayer_lowered  }
0x9b: {  	s22 =	simm.s32 $0x1BFF;
	s21 =	sshll.u32 s6, $0x1;
	s3 =	sadd.s32 s4, s19  }
0x9c: {  	s7 =	simm.s32 $0x0;
	s20 =	sshll.u32 s5, $0x1;
	s5 =	sadd.s32 s21, s3  }
0x9d: {  	[timem:s7], [sflag:s22] =	dma.local [hbm:s5], s20  }
0x9e: {  	_ =	swait.ge [sflag:s22], s20  }
0x9f: {  	s4 =	ssub.s32 $0x0, s20;
	[sflag:s22] =	ssyncset.done $0x0  }
0xa0: {  	[sflag:s22] =	ssyncadd.s32 s4;
	_ =	sdelay $0x1  }
0xa1: {  	s23 =	simm.s32 $0x1B8B  }
0xa2: {  	_ =	swait.ge [sflag:s23], $0x1  }
0xa3: {  	[sflag:s23] =	ssyncset.done $0x0  }
0xa4: {  	s25 =	simm.s32 $0x1B8E;
	s24 =	sld [smem:$0x3FFE];
	[sflag:s23] =	ssyncadd.s32 $0xFFFFFFFF  }
0xa5: {  	s26 =	simm.s32 $execute0_lowered;
	[smem:$0x3FD2] =	sst s25  }
0xa6: {  	s5 =	sshll.u32 s26, $0x1;
	_ =	strace $0x80000046;
	[dreg:$0x1] =	wrdreg $0xFFFFFFFF  }
0xa7: {  	s28 =	simm.s32 $_size_execute0_lowered;
	s3 =	sadd.s32 s3, s5;
	[dreg:$0x0] =	wrdreg $0x0  }
0xa8: {  	s5 =	sshll.u32 s28, $0x1;
	[dreg:$0x2] =	wrdreg s3  }
0xa9: {  	[dreg:$0x3] =	wrdreg s5  }
0xaa: {  	[dreg:$0x4] =	wrdreg $0xC0  }
0xab: {  	_ =	task [dreg:s7], $0x5FFFF  }
0xac: {  	[dreg:$0x1] =	wrdreg $0xFFFFFFFF  }
0xad: {  	[dreg:$0x0] =	wrdreg $0x60  }
0xae: {  	[dreg:$0x2] =	wrdreg s2  }
0xaf: {  	[dreg:$0x3] =	wrdreg s24  }
0xb0: {  	[dreg:$0x4] =	wrdreg $0xA0A00  }
0xb1: {  	[dreg:$0x5] =	wrdreg $0x1E0A00  }
0xb2: {  	[dreg:$0x6] =	wrdreg $0x9  }
0xb3: {  	_ =	task.clear_ibuf [dreg:s7], $0x7FFFF;
	_ =	strace $0x90000046  }
0xb4: {  	s29 =	simm.s32 $0x9;
	_ =	strace $0x80000048  }
0xb5: {  	_ =	swait.ge [sflag:s29], $0x1  }
0xb6: {  	[sflag:s29] =	ssyncadd.s32 $0xFFFFFFFF  }
0xb7: {  	_ =	strace $0x90000048  }
0xb8: {  	_ =	sfence  }
0xb9: {  	s30 =	sld [smem:$0x0];
	_ =	sdelay $0x2  }
0xba: {  	s31 =	sshll.u32 s1, $0xD;
	s1 =	sshrl.u32 s1, $0x2  }
0xbb: {  	s3 =	sand.u32 $0x4000, s31;
	s1 =	sadd.s32 s1, s30  }
0xbc: {  	s0 =	sor.u32 s3, s0;
	s1 =	sshll.u32 s1, $0x11  }
0xbd: {  	s0 =	sor.u32 s1, s0  }
0xbe: {  	s0 =	sadd.s32 $0x8F2B, s0  }
0xbf: {  	[sflag:s0] =	ssyncadd.remote.s32 $0x1  }
0xc0: {  	_ =	sfence.sel $0xFFFF  }
0xc1: {  	[dreg:$0x0] =	wrdreg $0xFFFFFFFF;
	(pc) =	sbr.abs _section_cstart, $3  }
0xc2: {  	[dreg:$0x1] =	wrdreg $0xFFFFFFFF  }
0xc3: {  	_ =	task.clear_ibuf [dreg:s7], $0x2FFFF;
	_ =	strace $0x9FFFFFFF  }
0xc4: {  	(tm) =	ssettm $0x7FFFFFFF  }
0xc5: {  	_ =	shalt  }
tec
execute0_lowered:
.L_overlay_start_1:
0x0: {  	(tag) =	ssettag $0x1  }
0x1: {  	s1 =	rddreg [dreg:$0x0]  }
0x2: {  	s0 =	rddreg [dreg:$0x1]  }
0x3: {  	s3 =	rddreg [dreg:$0x2]  }
0x4: {  	s4 =	rddreg [dreg:$0x3]  }
0x5: {  	s12 =	stileid.u32;
	s6 =	srdreg.scid  }
0x6: {  	s5 =	simm.s32 $0x0;
	s17 =	simm.s32 $0x7;
	s19 =	simm.s32 $0x2710  }
0x7: {  	s20 =	simm.s32 $0x9E20;
	s28 =	simm.s32 $0x2760;
	s29 =	simm.s32 $0x3  }
0x8: {  	s30 =	simm.s32 $0x6;
	s31 =	simm.s32 $0x4;
	s2 =	smul.u32 $0x2710, s12  }
0x9: {  	s6 =	sand.u32 $0x1, s6;
	s7 =	smul.u32 $0x14000, s12;
	[smem:$0x7FF] =	sst s5  }
0xa: {  	s9 =	sadd.s32 $0xC000, s0;
	s10 =	smul.u32 $0x1400, s12;
	s22 =	sadd.s32 $0xBC00, s0  }
0xb: {  	s23 =	sadd.s32 $0x1C00, s0;
	_ =	strace $0x80000047;
	[dreg:$0x5] =	wrdreg s9  }
0xc: {  	s12 =	sshll.u32 s12, $0x6;
	s8 =	smul.u32 $0x140000, s6;
	[dreg:$0x6] =	wrdreg s22  }
0xd: {  	[dreg:$0x7] =	wrdreg s23;
	s11 =	ssub.s32 $0x2, s6;
	s22 =	simm.s32 $0x4E20  }
0xe: {  	s23 =	simm.s32 $0x7620;
	p0 =	sne.s32 s6, $0x0;
	s2 =	sshrl.u32 s2, $0x3  }
0xf: {  	s24 =	sshrl.u32 s10, $0x3;
	s25 =	sshrl.u32 s11, $0x1;
	s10 =	sadd.s32 s10, s4  }
0x10: {  	s2 =	sadd.s32 s2, s0;
	s21 =	sadd.s32 s7, s8;
	s15 =	ssub.s32 s11, s25  }
0x11: {  	s7 =	sadd.s32 s7, s3;
	s18 =	sshrl.u32 s10, $0x3;
	s25 =	simm.s32 $0x5  }
0x12: {  	s9 =	sshrl.u32 s21, $0x3;
	s26 =	sadd.s32 $0x1E00, s2;
	s15 =	smax.u32 s15, $0x1  }
0x13: {  	s16 =	sshrl.u32 s7, $0x3;
	s21 =	simm.s32 $0x50;
	s13 =	sadd.s32 s9, s0  }
0x14: {  	s0 =	sadd.s32 s24, s0;
	s9 =	sor.u32 $0x1C07, s12;
	[dreg:$0x8] =	wrdreg s26  }
0x15: {  	s12 =	sadd.s32 $0x6C20, s2;
	s24 =	simm.s32 $0x1;
	s2 =	simm.s32 $0x0  }
0x16: {  	v0 =	vmov s6;
	s13 =	sadd.s32 $0x11000, s13;
	s14 =	sadd.s32 $0xE800, s0;
	s0 =	simm.s32 $0x2  }
.LBB2_1:
0x17: {  	s6 =	rddreg [dreg:$0x5]  }
0x18: {  	[spmem:s16], [sflag:s9] =	dma.local [hbm:s6], $0x2800  }
0x19: {  	_ =	swait.ge [sflag:s17], $0x2800  }
0x1a: {  	[sflag:s17] =	ssyncset.done $0x0  }
0x1b: {  	s8 =	rddreg [dreg:$0x6];
	[sflag:s17] =	ssyncadd.s32 $0xFFFFD800  }
0x1c: {  	[spmem:s18], [sflag:s9] =	dma.local [hbm:s8], $0x280  }
0x1d: {  	_ =	swait.ge [sflag:s17], $0x280  }
0x1e: {  	[sflag:s17] =	ssyncset.done $0x0  }
0x1f: {  	s11 =	rddreg [dreg:$0x8];
	[sflag:s17] =	ssyncadd.s32 $0xFFFFFD80  }
0x20: {  	[tilespmem:s5], [sflag:$0x7] =	stream.linear.gather [hbm4b:s11+s5], $0x2710, $0x38;
	[tilespmem:$0x1F4A0] =	vst v63  }
0x21: {  	_ =	swait.ge [sflag:s17], $0x2710  }
0x22: {  	[sflag:s17] =	ssyncset.done $0x0  }
0x23: {  	[sflag:s17] =	ssyncadd.s32 $0xFFFFD8F0  }
0x24: {  	[tilespmem:s19], [sflag:$0x7] =	stream.linear.gather [hbm4b:s12+s5], $0x2710, $0x38;
	[tilespmem:$0x1F4A0] =	vst v63  }
0x25: {  	_ =	swait.ge [sflag:s17], $0x2710  }
0x26: {  	[sflag:s17] =	ssyncset.done $0x0  }
0x27: {  	s26 =	rddreg [dreg:$0x7];
	[sflag:s17] =	ssyncadd.s32 $0xFFFFD8F0  }
0x28: {  	[tilespmem:s20], [sflag:$0x7] =	stream.linear.gather [hbm4b:s26+s5], $0x280, $0x38;
	[tilespmem:$0x1F4A0] =	vst v63  }
0x29: {  	_ =	swait.ge [sflag:s17], $0x280  }
0x2a: {  	[sflag:s17] =	ssyncset.done $0x0  }
0x2b: {  	s26 =	simm.s32 $0x0;
	[sflag:s17] =	ssyncadd.s32 $0xFFFFFD80  }
0x2c: {  	v3 =	vld [tilespmem:s26+$0x0]  }
0x2d: {  	v4 =	vld [tilespmem:s26+$0x10]  }
0x2e: {  	v2 =	vld [tilespmem:s26+$0x20]  }
0x2f: {  	s6 =	simm.s32 $0x140;
	v1 =	vld [tilespmem:s26+$0x30]  }
.LBB2_2:
0x30: {  	p1 =	sne.s32 s6, $0x9B00;
	v5 =	vld [tilespmem:s26+$0x40]  }
0x31: {  	v3 =	vshll.u32 v3, $0x1  }
0x32: {  	v3 =	vor.u32 v0, v3;
	v4 =	vshll.u32 v4, $0x1  }
.Ltmp0:
0x33: {  	s7 =	sshra.s32 s6, $0x2;
	[tilespmem:s26+$0x0] =	vst v3;
	v4 =	vor.u32 v0, v4;
	v2 =	vshll.u32 v2, $0x1;
	(pc) =	sbr.rel @p1 .LBB2_2-.Ltmp0, $4  }
0x34: {  	v3 =	vld [tilespmem:s7+$0x0];
	[tilespmem:s26+$0x10] =	vst v4;
	v2 =	vor.u32 v0, v2;
	v1 =	vshll.u32 v1, $0x1  }
0x35: {  	v4 =	vld [tilespmem:s7+$0x10];
	[tilespmem:s26+$0x20] =	vst v2;
	v1 =	vor.u32 v0, v1;
	v5 =	vshll.u32 v5, $0x1  }
0x36: {  	v2 =	vld [tilespmem:s7+$0x20];
	[tilespmem:s26+$0x30] =	vst v1;
	v5 =	vor.u32 v0, v5  }
0x37: {  	s6 =	sadd.s32 $0x140, s6;
	v1 =	vld [tilespmem:s7+$0x30];
	[tilespmem:s26+$0x40] =	vst v5;
	s26 =	smov.u32 s7  }
0x38: {  	v5 =	vld [tilespmem:s26+$0x40]  }
0x39: {  	v3 =	vshll.u32 v3, $0x1  }
0x3a: {  	v3 =	vor.u32 v0, v3;
	v4 =	vshll.u32 v4, $0x1  }
0x3b: {  	[tilespmem:s26+$0x0] =	vst v3;
	v3 =	vor.u32 v0, v4;
	v2 =	vshll.u32 v2, $0x1  }
0x3c: {  	[tilespmem:s26+$0x10] =	vst v3;
	v2 =	vor.u32 v0, v2;
	v1 =	vshll.u32 v1, $0x1  }
0x3d: {  	[tilespmem:s26+$0x20] =	vst v2;
	v1 =	vor.u32 v0, v1;
	v2 =	vshll.u32 v5, $0x1  }
0x3e: {  	[tilespmem:s26+$0x30] =	vst v1;
	v1 =	vor.u32 v0, v2  }
0x3f: {  	[tilespmem:s26+$0x40] =	vst v1  }
0x40: {  	[bflag:$0x0] =	sbarrier.arrive $0xFFFF  }
0x41: {  	[tilespmem:s22], [sflag:$0x1] =	stream.indirect.gather [hbm4b:s1+s21], $0x80, s5, s21, $0xb8;
	[tilespmem:$0x1F4A0] =	vst v63  }
0x42: {  	_ = 	snop  }
0x43: {  	[tilespmem:s23], [sflag:$0x2] =	stream.indirect.gather [hbm4b:s1+s21], $0x80, s21, s21, $0xb8;
	[tilespmem:$0x1F4A0] =	vst v63  }
0x44: {  	_ = 	snop  }
0x45: {  	[spmem:s4] =	stream.indirect.scatter.add.f32 [tilespmem:s20], [sflag:$0x3], $0x8, s19, s21, $0xb8;
	[tilespmem:$0x1F4A0] =	vst v63  }
0x46: {  	_ =	swait.ge [sflag:s24], $0x2800  }
0x47: {  	[sflag:s24] =	ssyncset.done $0x0  }
0x48: {  	[sflag:s24] =	ssyncadd.s32 $0xFFFFD800  }
0x49: {  	[spmem:s3] =	stream.indirect.scatter.add.f32 [tilespmem:s22], [sflag:$0x5], $0x80, s19, s21, $0xb8;
	[tilespmem:$0x1F4A0] =	vst v63  }
0x4a: {  	_ =	swait.ge [sflag:s25], $0x2800  }
0x4b: {  	[sflag:s25] =	ssyncset.done $0x0  }
0x4c: {  	s6 =	simm.s32 $0xA0;
	[sflag:s25] =	ssyncadd.s32 $0xFFFFD800  }
0x4d: {  	[tilespmem:s22], [sflag:$0x1] =	stream.indirect.gather [hbm4b:s1+s21], $0x80, s6, s21, $0xb8;
	[tilespmem:$0x1F4A0] =	vst v63  }
0x4e: {  	s6 =	simm.s32 $0x2  }
0x4f: {  	[spmem:s4] =	stream.indirect.scatter.add.f32 [tilespmem:s20], [sflag:$0x4], $0x8, s28, s21, $0xb8;
	[tilespmem:$0x1F4A0] =	vst v63  }
0x50: {  	_ =	swait.ge [sflag:s6], $0x2800  }
0x51: {  	[sflag:s6] =	ssyncset.done $0x0  }
0x52: {  	s7 =	simm.s32 $0xF0;
	s26 =	simm.s32 $0x27B0;
	[sflag:s6] =	ssyncadd.s32 $0xFFFFD800  }
0x53: {  	[spmem:s3] =	stream.indirect.scatter.add.f32 [tilespmem:s23], [sflag:$0x6], $0x80, s28, s21, $0xb8;
	[tilespmem:$0x1F4A0] =	vst v63  }
.LBB2_4:
0x54: {  	s8 =	sand.u32 $0x1, s6  }
0x55: {  	p1 =	seq.s32 s8, $0x1  }
0x56: {  	s8 =	simm.s32 @!p1 $0x6  }
0x57: {  	_ =	swait.ge @!p1 [sflag:s8], $0x2800  }
0x58: {  	[sflag:s8] =	ssyncset.done @!p1 $0x0  }
0x59: {  	s11 =	simm.s32 @!p1 $0x7620;
	[sflag:s8] =	ssyncadd.s32 @!p1 $0xFFFFD800;
	s8 =	simm.s32 @!p1 $0x50  }
0x5a: {  	[tilespmem:s11], [sflag:$0x2] =	stream.indirect.gather @!p1 [hbm4b:s1+s8], $0x80, s7, s8, $0xb8;
	[tilespmem:$0x1F4A0] =	vst v63  }
0x5b: {  	s11 =	simm.s32 @!p1 $0x3  }
0x5c: {  	_ =	swait.ge @!p1 [sflag:s11], $0x280  }
0x5d: {  	[sflag:s11] =	ssyncset.done @!p1 $0x0  }
0x5e: {  	[sflag:s11] =	ssyncadd.s32 @!p1 $0xFFFFFD80;
	s11 =	simm.s32 @!p1 $0x9E20  }
0x5f: {  	[spmem:s4] =	stream.indirect.scatter.add.f32 @!p1 [tilespmem:s11], [sflag:$0x3], $0x8, s26, s8, $0xb8;
	[tilespmem:$0x1F4A0] =	vst v63  }
0x60: {  	s11 =	simm.s32 @!p1 $0x1  }
0x61: {  	_ =	swait.ge @!p1 [sflag:s11], $0x2800  }
0x62: {  	[sflag:s11] =	ssyncset.done @!p1 $0x0  }
0x63: {  	[sflag:s11] =	ssyncadd.s32 @!p1 $0xFFFFD800;
	s11 =	simm.s32 @!p1 $0x4E20  }
0x64: {  	[spmem:s3] =	stream.indirect.scatter.add.f32 @!p1 [tilespmem:s11], [sflag:$0x5], $0x80, s26, s8, $0xb8;
	[tilespmem:$0x1F4A0] =	vst v63  }
0x65: {  	s8 =	sand.u32 @!p1 $0x1, s6  }
0x66: {  	p2 =	seq.s32 @!p1 s8, $0x0  }
0x67: {  	p1 =	por p1, !p2  }
0x68: {  	_ =	swait.ge @p1 [sflag:s25], $0x2800  }
0x69: {  	[sflag:s25] =	ssyncset.done @p1 $0x0  }
0x6a: {  	[sflag:s25] =	ssyncadd.s32 @p1 $0xFFFFD800  }
0x6b: {  	[tilespmem:s22], [sflag:$0x1] =	stream.indirect.gather @p1 [hbm4b:s1+s21], $0x80, s7, s21, $0xb8;
	[tilespmem:$0x1F4A0] =	vst v63  }
0x6c: {  	_ =	swait.ge @p1 [sflag:s31], $0x280  }
0x6d: {  	[sflag:s31] =	ssyncset.done @p1 $0x0  }
0x6e: {  	[sflag:s31] =	ssyncadd.s32 @p1 $0xFFFFFD80  }
0x6f: {  	[spmem:s4] =	stream.indirect.scatter.add.f32 @p1 [tilespmem:s20], [sflag:$0x4], $0x8, s26, s21, $0xb8;
	[tilespmem:$0x1F4A0] =	vst v63  }
0x70: {  	_ =	swait.ge @p1 [sflag:s0], $0x2800  }
0x71: {  	[sflag:s0] =	ssyncset.done @p1 $0x0  }
0x72: {  	s6 =	sadd.s32 $0x1, s6;
	[sflag:s0] =	ssyncadd.s32 @p1 $0xFFFFD800  }
0x73: {  	[spmem:s3] =	stream.indirect.scatter.add.f32 @p1 [tilespmem:s23], [sflag:$0x6], $0x80, s26, s21, $0xb8;
	[tilespmem:$0x1F4A0] =	vst v63  }
0x74: {  	p1 =	sne.s32 s6, $0x7C  }
.Ltmp1:
0x75: {  	_ = 	snop;
	(pc) =	sbr.rel @p1 .LBB2_4-.Ltmp1, $2  }
0x76: {  	_ =	sdelay $0x2  }
0x77: {  	s7 =	sadd.s32 $0x50, s7;
	s26 =	sadd.s32 $0x50, s26  }
0x78: {  	_ =	swait.ge [sflag:s29], $0x280  }
0x79: {  	[sflag:s29] =	ssyncset.done $0x0  }
0x7a: {  	[sflag:s29] =	ssyncadd.s32 $0xFFFFFD80  }
0x7b: {  	[spmem:s4] =	stream.indirect.scatter.add.f32 [tilespmem:s20], [sflag:$0x3], $0x8, s26, s21, $0xb8;
	[tilespmem:$0x1F4A0] =	vst v63  }
0x7c: {  	_ =	swait.ge [sflag:s24], $0x2800  }
0x7d: {  	[sflag:s24] =	ssyncset.done $0x0  }
0x7e: {  	[sflag:s24] =	ssyncadd.s32 $0xFFFFD800  }
0x7f: {  	[spmem:s3] =	stream.indirect.scatter.add.f32 [tilespmem:s22], [sflag:$0x5], $0x80, s26, s21, $0xb8;
	[tilespmem:$0x1F4A0] =	vst v63  }
0x80: {  	_ =	swait.ge [sflag:s25], $0x2800  }
0x81: {  	[sflag:s25] =	ssyncset.done $0x0  }
0x82: {  	[sflag:s25] =	ssyncadd.s32 $0xFFFFD800  }
0x83: {  	_ =	swait.ge [sflag:s30], $0x2800  }
0x84: {  	[sflag:s30] =	ssyncset.done $0x0  }
0x85: {  	[sflag:s30] =	ssyncadd.s32 $0xFFFFD800  }
0x86: {  	_ =	swait.ge [sflag:s29], $0x280  }
0x87: {  	[sflag:s29] =	ssyncset.done $0x0  }
0x88: {  	[sflag:s29] =	ssyncadd.s32 $0xFFFFFD80  }
0x89: {  	_ =	swait.ge [sflag:s31], $0x280  }
0x8a: {  	[sflag:s31] =	ssyncset.done $0x0  }
0x8b: {  	[sflag:s31] =	ssyncadd.s32 $0xFFFFFD80  }
0x8c: {  	[bflag:$0x0] =	sbarrier.arrive $0xFFFF  }
0x8d: {  	[hbm:s13], [sflag:s9] =	dma.local [spmem:s16], $0x2800  }
0x8e: {  	_ =	swait.ge [sflag:s17], $0x2800  }
0x8f: {  	s2 =	sadd.s32 $0x1, s2;
	[sflag:s17] =	ssyncset.done $0x0  }
0x90: {  	s6 =	sshrl.u32 @!p0 s10, $0x3;
	p1 =	sne.s32 s2, s15;
	[sflag:s17] =	ssyncadd.s32 $0xFFFFD800  }
0x91: {  	[hbm:s14], [sflag:s9] =	dma.local @!p0 [spmem:s6], $0x280  }
.Ltmp2:
0x92: {  	_ = 	snop;
	(pc) =	sbr.rel @p1 .LBB2_1-.Ltmp2, $4  }
0x93: {  	s6 =	simm.s32 @!p0 $0x7  }
0x94: {  	_ =	swait.ge @!p0 [sflag:s6], $0x280  }
0x95: {  	[sflag:s6] =	ssyncset.done @!p0 $0x0  }
0x96: {  	[sflag:s6] =	ssyncadd.s32 @!p0 $0xFFFFFD80  }
0x97: {  	_ =	sfence.sel $0x180000  }
0x98: {  	[bflag:$0x0] =	sbarrier.arrive $0xFFFF  }
0x99: {  	_ =	strace $0x90000047  }
0x9a: {  	s0 =	stileid.u32;
	[bflag:$0x2] =	sbarrier.arrive $0xFFFF  }
0x9b: {  	p0 =	sne.s32 s0, $0x0;
	s0 =	rddreg [dreg:$0x4]  }
0x9c: {  	s0 =	sadd.s32 @!p0 $0x100000, s0  }
0x9d: {  	[sflag:s0] =	ssyncadd.tile.s32 @!p0 $0x1;
	_ =	shalt  }
.Lfunc_end2:
_tile_overlayer_lowered:
.L_overlay_start_2:
0x9e: {  	(tag) =	ssettag $0x2  }
0x9f: {  	s0 =	rddreg [dreg:$0x0];
	s2 =	stileid.u32  }
0xa0: {  	s1 =	rddreg [dreg:$0x1];
	p0 =	sne.s32 s2, $0x0  }
0xa1: {  	s3 =	rddreg [dreg:$0x2];
	[bflag:$0x3] =	sbarrier.arrive $0xFFFF;
	s2 =	simm.s32 @!p0 $0x1C07  }
0xa2: {  	[timem:s3], [sflag:s2] =	dma.local @!p0 [hbm:s0], s1  }
0xa3: {  	s0 =	simm.s32 @!p0 $0x7  }
0xa4: {  	_ =	swait.ge @!p0 [sflag:s0], s1  }
0xa5: {  	s1 =	ssub.s32 @!p0 $0x0, s1;
	[sflag:s0] =	ssyncset.done @!p0 $0x0  }
0xa6: {  	[sflag:s0] =	ssyncadd.s32 @!p0 s1  }
0xa7: {  	[bflag:$0x3] =	sbarrier.arrive $0xFFFF  }
0xa8: {  	_ =	shalt  }

</sc_bundles>
